<compile_context>
chip_gen: v7x
topology: tpu7x:2x2x1
jax: 0.10.2.dev20260603
libtpu: 0.0.44.dev20260713+nightly
codegen_flags: <defaults>
</compile_context>

<pallas_src>
import functools

import jax
import jax.numpy as jnp
from jax import lax
from jax.experimental import pallas as pl
from jax.experimental.pallas import tpu as pltpu
from jax.experimental.pallas import tpu_sc as plsc

_INFO = plsc.get_sparse_core_info()
_NC, _NS = _INFO.num_cores, _INFO.num_subcores
_NW = _NC * _NS

_CHUNK = 8
_NBUF = 3


@functools.partial(jax.jit, static_argnums=(2, 3, 4))
def _gather_rows(idx, weights, n_tokens, d, n_chunks):
    mesh = plsc.VectorSubcoreMesh(core_axis_name="c", subcore_axis_name="s")

    @functools.partial(
        pl.kernel,
        mesh=mesh,
        out_type=jax.ShapeDtypeStruct((n_tokens, d), jnp.float32),
        scratch_types=[
            pltpu.VMEM((n_chunks, _CHUNK), jnp.int32),
            pltpu.VMEM((_NBUF, _CHUNK, d), jnp.float32),
        ] + [pltpu.SemaphoreType.DMA] * (2 * _NBUF),
    )
    def body(idx_hbm, table_hbm, out_hbm, idx_v, rows_v, *sems):
        gsems, osems = sems[:_NBUF], sems[_NBUF:]
        wid = lax.axis_index("s") * _NC + lax.axis_index("c")
        base = wid * (n_chunks * _CHUNK)

        pltpu.sync_copy(idx_hbm.at[wid], idx_v)

        def gather_start(c, b):
            pltpu.async_copy(table_hbm.at[idx_v.at[c]], rows_v.at[b], gsems[b])

        def gather_wait(b):
            pltpu.make_async_copy(
                table_hbm.at[idx_v.at[0]], rows_v.at[b], gsems[b]
            ).wait()

        def scatter_start(b, c):
            pltpu.async_copy(
                rows_v.at[b], out_hbm.at[pl.ds(base + c * _CHUNK, _CHUNK)], osems[b]
            )

        def scatter_wait(b):
            pltpu.make_async_copy(
                rows_v.at[b], out_hbm.at[pl.ds(base, _CHUNK)], osems[b]
            ).wait()

        gather_start(0, 0)
        gather_start(1, 1)
        gather_wait(0)
        scatter_start(0, 0)
        gather_start(2, 2)

        def group(g, carry):
            for j in range(3):
                c = g * 3 + 1 + j
                b = (1 + j) % 3
                bp = j
                gather_wait(b)
                scatter_start(b, c)
                m = c + 2

                @pl.when(m < n_chunks)
                def _():
                    scatter_wait(bp)
                    gather_start(m, bp)
            return carry

        main = (n_chunks - 2) // 3
        lax.fori_loop(0, main, group, 0)
        for c in range(1 + main * 3, n_chunks):
            b = c % 3
            gather_wait(b)
            scatter_start(b, c)
        for b in range(3):
            scatter_wait(b)

    return body(idx, weights)


def kernel(x, weights):
    bt, s = x.shape
    v, d = weights.shape
    n = bt * s
    per_w = n // _NW
    n_chunks = per_w // _CHUNK
    idx = x.reshape(_NW, n_chunks, _CHUNK).astype(jnp.int32)
    out = _gather_rows(idx, weights, n, d, n_chunks)
    return out.reshape(bt, s, d)

# --- scband reference (transcript-rebuilt; emitter-appended) ---
"""Pipeline reference for scband-tt-mixtral-embedding-21500606283786 (READ-ONLY COPY).

The authoritative reference and input builder live on the scoring server;
editing this copy changes nothing except your own understanding.
"""

import jax, jax.numpy as jnp
import numpy as np

VOCAB = 32000
DIM = 4096
BATCH = 4
SEQ = 8192


def setup_inputs(seed: int = 0) -> dict:
    key = jax.random.key(seed)
    k_idx, k_w = jax.random.split(key)
    x = jax.random.randint(k_idx, (BATCH, SEQ), 0, VOCAB, dtype=jnp.int64 if jax.config.jax_enable_x64 else jnp.int32)
    weights = jax.random.normal(k_w, (VOCAB, DIM), dtype=jnp.float32) * 0.02
    return {"x": x, "weights": weights}


def reference(x, weights):
    # ttnn.embedding(x, self.weights): plain embedding-table row gather
    return jnp.take(weights, x, axis=0)

if __name__ == "__main__":
    import jax
    _d = setup_inputs()
    print(jax.jit(kernel)(*tuple(_d.values())))

</pallas_src>

<mosaic_0001>
#map = affine_map<(d0, d1) -> (0, 0, 0)>
#map1 = affine_map<(d0, d1) -> (0, 0)>
module attributes {stable_mosaic.version = 14 : i64} {
  func.func @body(%arg0: i32, %arg1: i32, %arg2: memref<32x128x8xi32, #tpu.memory_space<hbm>>, %arg3: memref<32000x4096xf32, #tpu.memory_space<hbm>>, %arg4: memref<32768x4096xf32, #tpu.memory_space<hbm>>, %arg5: memref<128x8xi32, #tpu.memory_space<vmem>>, %arg6: memref<3x8x4096xf32, #tpu.memory_space<vmem>>, %arg7: memref<!tpu.dma_semaphore, #tpu.memory_space<semaphore_mem>>, %arg8: memref<!tpu.dma_semaphore, #tpu.memory_space<semaphore_mem>>, %arg9: memref<!tpu.dma_semaphore, #tpu.memory_space<semaphore_mem>>, %arg10: memref<!tpu.dma_semaphore, #tpu.memory_space<semaphore_mem>>, %arg11: memref<!tpu.dma_semaphore, #tpu.memory_space<semaphore_mem>>, %arg12: memref<!tpu.dma_semaphore, #tpu.memory_space<semaphore_mem>>) attributes {dimension_semantics = [#tpu.dimension_semantics<core_parallel>, #tpu.dimension_semantics<subcore_parallel>], iteration_bounds = array<i64: 2, 16>, scalar_prefetch = 0 : i64, scratch_operands = 8 : i64, tpu.core_type = #tpu.core_type<sc_vector_subcore>, window_params = [{transform_indices = #map}, {transform_indices = #map1}, {transform_indices = #map1}]} {
    %mul3A = arith.constant 2 : i32
    %mul3A_0 = arith.muli %arg1, %mul3A : i32
    %add3A = arith.addi %mul3A_0, %arg0 : i32
    %mul3A_1 = arith.constant 1024 : i32
    %mul3A_2 = arith.muli %add3A, %mul3A_1 : i32
    "tpu.region"() ({
      %run_scoped3A = tpu.sem_alloc : memref<!tpu.dma_semaphore, #tpu.memory_space<semaphore_mem>>
      %dma_start3A_135 = arith.constant 0 : i32
      %dma_start3A_136 = arith.constant 0 : i32
      %dma_start3A_137 = tpu.memref_slice %arg2[%add3A, %dma_start3A_135, %dma_start3A_136] : memref<32x128x8xi32, #tpu.memory_space<hbm>> -> memref<1x128x8xi32, #tpu.memory_space<hbm>>
      %dma_start3A_138 = tpu.memref_squeeze %dma_start3A_137 : memref<1x128x8xi32, #tpu.memory_space<hbm>> -> memref<128x8xi32, #tpu.memory_space<hbm>>
      %dma_start3A_139 = arith.constant 0 : i32
      %dma_start3A_140 = arith.constant 0 : i32
      %dma_start3A_141 = tpu.memref_slice %arg2[%add3A, %dma_start3A_139, %dma_start3A_140] : memref<32x128x8xi32, #tpu.memory_space<hbm>> -> memref<1x128x8xi32, #tpu.memory_space<hbm>>
      %dma_start3A_142 = tpu.memref_squeeze %dma_start3A_141 : memref<1x128x8xi32, #tpu.memory_space<hbm>> -> memref<128x8xi32, #tpu.memory_space<hbm>>
      tpu.enqueue_dma source(%dma_start3A_142 : memref<128x8xi32, #tpu.memory_space<hbm>>) target(%arg5 : memref<128x8xi32, #tpu.memory_space<vmem>>) target_semaphore(%run_scoped3A : memref<!tpu.dma_semaphore, #tpu.memory_space<semaphore_mem>>)
      %dma_wait3A_143 = arith.constant 0 : i32
      %dma_wait3A_144 = arith.constant 0 : i32
      %dma_wait3A_145 = tpu.memref_slice %arg2[%add3A, %dma_wait3A_143, %dma_wait3A_144] : memref<32x128x8xi32, #tpu.memory_space<hbm>> -> memref<1x128x8xi32, #tpu.memory_space<hbm>>
      %dma_wait3A_146 = tpu.memref_squeeze %dma_wait3A_145 : memref<1x128x8xi32, #tpu.memory_space<hbm>> -> memref<128x8xi32, #tpu.memory_space<hbm>>
      %dma_wait3A_147 = arith.constant 0 : i32
      %dma_wait3A_148 = arith.constant 0 : i32
      %dma_wait3A_149 = tpu.memref_slice %arg2[%add3A, %dma_wait3A_147, %dma_wait3A_148] : memref<32x128x8xi32, #tpu.memory_space<hbm>> -> memref<1x128x8xi32, #tpu.memory_space<hbm>>
      %dma_wait3A_150 = tpu.memref_squeeze %dma_wait3A_149 : memref<1x128x8xi32, #tpu.memory_space<hbm>> -> memref<128x8xi32, #tpu.memory_space<hbm>>
      tpu.wait_dma2 semaphore(%run_scoped3A : memref<!tpu.dma_semaphore, #tpu.memory_space<semaphore_mem>>) src(%dma_wait3A_150 : memref<128x8xi32, #tpu.memory_space<hbm>>) dst(%arg5 : memref<128x8xi32, #tpu.memory_space<vmem>>)
      tpu.yield
    }) : () -> ()
    %dma_start3A = arith.constant 0 : i32
    %dma_start3A_3 = arith.constant 0 : i32
    %dma_start3A_4 = arith.constant 0 : i32
    %dma_start3A_5 = arith.constant 0 : i32
    %dma_start3A_6 = tpu.memref_slice %arg6[%dma_start3A_3, %dma_start3A_4, %dma_start3A_5] : memref<3x8x4096xf32, #tpu.memory_space<vmem>> -> memref<1x8x4096xf32, #tpu.memory_space<vmem>>
    %dma_start3A_7 = tpu.memref_squeeze %dma_start3A_6 : memref<1x8x4096xf32, #tpu.memory_space<vmem>> -> memref<8x4096xf32, #tpu.memory_space<vmem>>
    %dma_start3A_8 = arith.constant 0 : i32
    %dma_start3A_9 = tpu.memref_slice %arg5[%dma_start3A, %dma_start3A_8] : memref<128x8xi32, #tpu.memory_space<vmem>> -> memref<1x8xi32, #tpu.memory_space<vmem>>
    %dma_start3A_10 = tpu.memref_squeeze %dma_start3A_9 : memref<1x8xi32, #tpu.memory_space<vmem>> -> memref<8xi32, #tpu.memory_space<vmem>>
    %dma_start3A_11 = arith.constant 0 : i32
    %dma_start3A_12 = arith.constant 0 : i32
    %dma_start3A_13 = tpu.memref_slice %arg3[%dma_start3A_11, %dma_start3A_12] : memref<32000x4096xf32, #tpu.memory_space<hbm>> -> memref<32000x4096xf32, #tpu.memory_space<hbm>>
    tpu.enqueue_indirect_dma source(%dma_start3A_13 : memref<32000x4096xf32, #tpu.memory_space<hbm>>) target(%dma_start3A_7 : memref<8x4096xf32, #tpu.memory_space<vmem>>) offsets(%dma_start3A_10 : memref<8xi32, #tpu.memory_space<vmem>>) semaphore(%arg7 : memref<!tpu.dma_semaphore, #tpu.memory_space<semaphore_mem>>)
    %dma_start3A_14 = arith.constant 1 : i32
    %dma_start3A_15 = arith.constant 1 : i32
    %dma_start3A_16 = arith.constant 0 : i32
    %dma_start3A_17 = arith.constant 0 : i32
    %dma_start3A_18 = tpu.memref_slice %arg6[%dma_start3A_15, %dma_start3A_16, %dma_start3A_17] : memref<3x8x4096xf32, #tpu.memory_space<vmem>> -> memref<1x8x4096xf32, #tpu.memory_space<vmem>>
    %dma_start3A_19 = tpu.memref_squeeze %dma_start3A_18 : memref<1x8x4096xf32, #tpu.memory_space<vmem>> -> memref<8x4096xf32, #tpu.memory_space<vmem>>
    %dma_start3A_20 = arith.constant 0 : i32
    %dma_start3A_21 = tpu.memref_slice %arg5[%dma_start3A_14, %dma_start3A_20] : memref<128x8xi32, #tpu.memory_space<vmem>> -> memref<1x8xi32, #tpu.memory_space<vmem>>
    %dma_start3A_22 = tpu.memref_squeeze %dma_start3A_21 : memref<1x8xi32, #tpu.memory_space<vmem>> -> memref<8xi32, #tpu.memory_space<vmem>>
    %dma_start3A_23 = arith.constant 0 : i32
    %dma_start3A_24 = arith.constant 0 : i32
    %dma_start3A_25 = tpu.memref_slice %arg3[%dma_start3A_23, %dma_start3A_24] : memref<32000x4096xf32, #tpu.memory_space<hbm>> -> memref<32000x4096xf32, #tpu.memory_space<hbm>>
    tpu.enqueue_indirect_dma source(%dma_start3A_25 : memref<32000x4096xf32, #tpu.memory_space<hbm>>) target(%dma_start3A_19 : memref<8x4096xf32, #tpu.memory_space<vmem>>) offsets(%dma_start3A_22 : memref<8xi32, #tpu.memory_space<vmem>>) semaphore(%arg8 : memref<!tpu.dma_semaphore, #tpu.memory_space<semaphore_mem>>)
    %dma_wait3A = arith.constant 0 : i32
    %dma_wait3A_26 = arith.constant 0 : i32
    %dma_wait3A_27 = arith.constant 0 : i32
    %dma_wait3A_28 = arith.constant 0 : i32
    %dma_wait3A_29 = tpu.memref_slice %arg6[%dma_wait3A_26, %dma_wait3A_27, %dma_wait3A_28] : memref<3x8x4096xf32, #tpu.memory_space<vmem>> -> memref<1x8x4096xf32, #tpu.memory_space<vmem>>
    %dma_wait3A_30 = tpu.memref_squeeze %dma_wait3A_29 : memref<1x8x4096xf32, #tpu.memory_space<vmem>> -> memref<8x4096xf32, #tpu.memory_space<vmem>>
    %dma_wait3A_31 = arith.constant 0 : i32
    %dma_wait3A_32 = tpu.memref_slice %arg5[%dma_wait3A, %dma_wait3A_31] : memref<128x8xi32, #tpu.memory_space<vmem>> -> memref<1x8xi32, #tpu.memory_space<vmem>>
    %dma_wait3A_33 = tpu.memref_squeeze %dma_wait3A_32 : memref<1x8xi32, #tpu.memory_space<vmem>> -> memref<8xi32, #tpu.memory_space<vmem>>
    %dma_wait3A_34 = arith.constant 0 : i32
    %dma_wait3A_35 = arith.constant 0 : i32
    %dma_wait3A_36 = tpu.memref_slice %arg3[%dma_wait3A_34, %dma_wait3A_35] : memref<32000x4096xf32, #tpu.memory_space<hbm>> -> memref<32000x4096xf32, #tpu.memory_space<hbm>>
    tpu.wait_indirect_dma semaphore(%arg7 : memref<!tpu.dma_semaphore, #tpu.memory_space<semaphore_mem>>) src(%dma_wait3A_36 : memref<32000x4096xf32, #tpu.memory_space<hbm>>) dst(%dma_wait3A_30 : memref<8x4096xf32, #tpu.memory_space<vmem>>)
    %add3A_37 = arith.constant 0 : i32
    %add3A_38 = arith.addi %mul3A_2, %add3A_37 : i32
    %dma_start3A_39 = arith.constant 0 : i32
    %dma_start3A_40 = arith.constant 0 : i32
    %dma_start3A_41 = arith.constant 0 : i32
    %dma_start3A_42 = tpu.memref_slice %arg6[%dma_start3A_39, %dma_start3A_40, %dma_start3A_41] : memref<3x8x4096xf32, #tpu.memory_space<vmem>> -> memref<1x8x4096xf32, #tpu.memory_space<vmem>>
    %dma_start3A_43 = tpu.memref_squeeze %dma_start3A_42 : memref<1x8x4096xf32, #tpu.memory_space<vmem>> -> memref<8x4096xf32, #tpu.memory_space<vmem>>
    %dma_start3A_44 = arith.constant 0 : i32
    %dma_start3A_45 = tpu.memref_slice %arg4[%add3A_38, %dma_start3A_44] : memref<32768x4096xf32, #tpu.memory_space<hbm>> -> memref<8x4096xf32, #tpu.memory_space<hbm>>
    %dma_start3A_46 = arith.constant 0 : i32
    %dma_start3A_47 = tpu.memref_slice %arg4[%add3A_38, %dma_start3A_46] : memref<32768x4096xf32, #tpu.memory_space<hbm>> -> memref<8x4096xf32, #tpu.memory_space<hbm>>
    %dma_start3A_48 = arith.constant 0 : i32
    %dma_start3A_49 = arith.constant 0 : i32
    %dma_start3A_50 = tpu.memref_slice %arg6[%dma_start3A_39, %dma_start3A_48, %dma_start3A_49] : memref<3x8x4096xf32, #tpu.memory_space<vmem>> -> memref<1x8x4096xf32, #tpu.memory_space<vmem>>
    %dma_start3A_51 = tpu.memref_squeeze %dma_start3A_50 : memref<1x8x4096xf32, #tpu.memory_space<vmem>> -> memref<8x4096xf32, #tpu.memory_space<vmem>>
    tpu.enqueue_dma source(%dma_start3A_51 : memref<8x4096xf32, #tpu.memory_space<vmem>>) target(%dma_start3A_47 : memref<8x4096xf32, #tpu.memory_space<hbm>>) target_semaphore(%arg10 : memref<!tpu.dma_semaphore, #tpu.memory_space<semaphore_mem>>)
    %dma_start3A_52 = arith.constant 2 : i32
    %dma_start3A_53 = arith.constant 2 : i32
    %dma_start3A_54 = arith.constant 0 : i32
    %dma_start3A_55 = arith.constant 0 : i32
    %dma_start3A_56 = tpu.memref_slice %arg6[%dma_start3A_53, %dma_start3A_54, %dma_start3A_55] : memref<3x8x4096xf32, #tpu.memory_space<vmem>> -> memref<1x8x4096xf32, #tpu.memory_space<vmem>>
    %dma_start3A_57 = tpu.memref_squeeze %dma_start3A_56 : memref<1x8x4096xf32, #tpu.memory_space<vmem>> -> memref<8x4096xf32, #tpu.memory_space<vmem>>
    %dma_start3A_58 = arith.constant 0 : i32
    %dma_start3A_59 = tpu.memref_slice %arg5[%dma_start3A_52, %dma_start3A_58] : memref<128x8xi32, #tpu.memory_space<vmem>> -> memref<1x8xi32, #tpu.memory_space<vmem>>
    %dma_start3A_60 = tpu.memref_squeeze %dma_start3A_59 : memref<1x8xi32, #tpu.memory_space<vmem>> -> memref<8xi32, #tpu.memory_space<vmem>>
    %dma_start3A_61 = arith.constant 0 : i32
    %dma_start3A_62 = arith.constant 0 : i32
    %dma_start3A_63 = tpu.memref_slice %arg3[%dma_start3A_61, %dma_start3A_62] : memref<32000x4096xf32, #tpu.memory_space<hbm>> -> memref<32000x4096xf32, #tpu.memory_space<hbm>>
    tpu.enqueue_indirect_dma source(%dma_start3A_63 : memref<32000x4096xf32, #tpu.memory_space<hbm>>) target(%dma_start3A_57 : memref<8x4096xf32, #tpu.memory_space<vmem>>) offsets(%dma_start3A_60 : memref<8xi32, #tpu.memory_space<vmem>>) semaphore(%arg9 : memref<!tpu.dma_semaphore, #tpu.memory_space<semaphore_mem>>)
    %scan3A = arith.constant 0 : i32
    %scan3A_64 = arith.constant 0 : i32
    %scan3A_65 = arith.constant 42 : i32
    %scan3A_66 = arith.addi %scan3A_64, %scan3A_65 : i32
    %scan3A_67 = arith.constant 1 : i32
    scf.for %scan3A_135 = %scan3A_64 to %scan3A_66 step %scan3A_67  : i32 {
      %mul3A_136 = arith.constant 3 : i32
      %mul3A_137 = arith.muli %scan3A_135, %mul3A_136 : i32
      %add3A_138 = arith.constant 1 : i32
      %add3A_139 = arith.addi %mul3A_137, %add3A_138 : i32
      %add3A_140 = arith.constant 0 : i32
      %add3A_141 = arith.addi %add3A_139, %add3A_140 : i32
      %dma_wait3A_142 = arith.constant 0 : i32
      %dma_wait3A_143 = arith.constant 1 : i32
      %dma_wait3A_144 = arith.constant 0 : i32
      %dma_wait3A_145 = arith.constant 0 : i32
      %dma_wait3A_146 = tpu.memref_slice %arg6[%dma_wait3A_143, %dma_wait3A_144, %dma_wait3A_145] : memref<3x8x4096xf32, #tpu.memory_space<vmem>> -> memref<1x8x4096xf32, #tpu.memory_space<vmem>>
      %dma_wait3A_147 = tpu.memref_squeeze %dma_wait3A_146 : memref<1x8x4096xf32, #tpu.memory_space<vmem>> -> memref<8x4096xf32, #tpu.memory_space<vmem>>
      %dma_wait3A_148 = arith.constant 0 : i32
      %dma_wait3A_149 = tpu.memref_slice %arg5[%dma_wait3A_142, %dma_wait3A_148] : memref<128x8xi32, #tpu.memory_space<vmem>> -> memref<1x8xi32, #tpu.memory_space<vmem>>
      %dma_wait3A_150 = tpu.memref_squeeze %dma_wait3A_149 : memref<1x8xi32, #tpu.memory_space<vmem>> -> memref<8xi32, #tpu.memory_space<vmem>>
      %dma_wait3A_151 = arith.constant 0 : i32
      %dma_wait3A_152 = arith.constant 0 : i32
      %dma_wait3A_153 = tpu.memref_slice %arg3[%dma_wait3A_151, %dma_wait3A_152] : memref<32000x4096xf32, #tpu.memory_space<hbm>> -> memref<32000x4096xf32, #tpu.memory_space<hbm>>
      tpu.wait_indirect_dma semaphore(%arg8 : memref<!tpu.dma_semaphore, #tpu.memory_space<semaphore_mem>>) src(%dma_wait3A_153 : memref<32000x4096xf32, #tpu.memory_space<hbm>>) dst(%dma_wait3A_147 : memref<8x4096xf32, #tpu.memory_space<vmem>>)
      %mul3A_154 = arith.constant 8 : i32
      %mul3A_155 = arith.muli %add3A_141, %mul3A_154 : i32
      %add3A_156 = arith.addi %mul3A_2, %mul3A_155 : i32
      %dma_start3A_157 = arith.constant 1 : i32
      %dma_start3A_158 = arith.constant 0 : i32
      %dma_start3A_159 = arith.constant 0 : i32
      %dma_start3A_160 = tpu.memref_slice %arg6[%dma_start3A_157, %dma_start3A_158, %dma_start3A_159] : memref<3x8x4096xf32, #tpu.memory_space<vmem>> -> memref<1x8x4096xf32, #tpu.memory_space<vmem>>
      %dma_start3A_161 = tpu.memref_squeeze %dma_start3A_160 : memref<1x8x4096xf32, #tpu.memory_space<vmem>> -> memref<8x4096xf32, #tpu.memory_space<vmem>>
      %dma_start3A_162 = arith.constant 0 : i32
      %dma_start3A_163 = tpu.memref_slice %arg4[%add3A_156, %dma_start3A_162] : memref<32768x4096xf32, #tpu.memory_space<hbm>> -> memref<8x4096xf32, #tpu.memory_space<hbm>>
      %dma_start3A_164 = arith.constant 0 : i32
      %dma_start3A_165 = tpu.memref_slice %arg4[%add3A_156, %dma_start3A_164] : memref<32768x4096xf32, #tpu.memory_space<hbm>> -> memref<8x4096xf32, #tpu.memory_space<hbm>>
      %dma_start3A_166 = arith.constant 0 : i32
      %dma_start3A_167 = arith.constant 0 : i32
      %dma_start3A_168 = tpu.memref_slice %arg6[%dma_start3A_157, %dma_start3A_166, %dma_start3A_167] : memref<3x8x4096xf32, #tpu.memory_space<vmem>> -> memref<1x8x4096xf32, #tpu.memory_space<vmem>>
      %dma_start3A_169 = tpu.memref_squeeze %dma_start3A_168 : memref<1x8x4096xf32, #tpu.memory_space<vmem>> -> memref<8x4096xf32, #tpu.memory_space<vmem>>
      tpu.enqueue_dma source(%dma_start3A_169 : memref<8x4096xf32, #tpu.memory_space<vmem>>) target(%dma_start3A_165 : memref<8x4096xf32, #tpu.memory_space<hbm>>) target_semaphore(%arg11 : memref<!tpu.dma_semaphore, #tpu.memory_space<semaphore_mem>>)
      %add3A_170 = arith.constant 2 : i32
      %add3A_171 = arith.addi %add3A_141, %add3A_170 : i32
      %lt3A = arith.constant 128 : i32
      %lt3A_172 = arith.cmpi slt, %add3A_171, %lt3A : i32
      %convert_element_type3A = arith.extui %lt3A_172 : i1 to i32
      %cond3A = arith.constant 0 : i32
      %cond3A_173 = arith.cmpi ne, %convert_element_type3A, %cond3A : i32
      scf.if %cond3A_173 {
        %dma_wait3A_256 = arith.constant 0 : i32
        %dma_wait3A_257 = arith.constant 0 : i32
        %dma_wait3A_258 = arith.constant 0 : i32
        %dma_wait3A_259 = tpu.memref_slice %arg6[%dma_wait3A_256, %dma_wait3A_257, %dma_wait3A_258] : memref<3x8x4096xf32, #tpu.memory_space<vmem>> -> memref<1x8x4096xf32, #tpu.memory_space<vmem>>
        %dma_wait3A_260 = tpu.memref_squeeze %dma_wait3A_259 : memref<1x8x4096xf32, #tpu.memory_space<vmem>> -> memref<8x4096xf32, #tpu.memory_space<vmem>>
        %dma_wait3A_261 = arith.constant 0 : i32
        %dma_wait3A_262 = tpu.memref_slice %arg4[%mul3A_2, %dma_wait3A_261] : memref<32768x4096xf32, #tpu.memory_space<hbm>> -> memref<8x4096xf32, #tpu.memory_space<hbm>>
        %dma_wait3A_263 = arith.constant 0 : i32
        %dma_wait3A_264 = tpu.memref_slice %arg4[%mul3A_2, %dma_wait3A_263] : memref<32768x4096xf32, #tpu.memory_space<hbm>> -> memref<8x4096xf32, #tpu.memory_space<hbm>>
        %dma_wait3A_265 = arith.constant 0 : i32
        %dma_wait3A_266 = arith.constant 0 : i32
        %dma_wait3A_267 = tpu.memref_slice %arg6[%dma_wait3A_256, %dma_wait3A_265, %dma_wait3A_266] : memref<3x8x4096xf32, #tpu.memory_space<vmem>> -> memref<1x8x4096xf32, #tpu.memory_space<vmem>>
        %dma_wait3A_268 = tpu.memref_squeeze %dma_wait3A_267 : memref<1x8x4096xf32, #tpu.memory_space<vmem>> -> memref<8x4096xf32, #tpu.memory_space<vmem>>
        tpu.wait_dma2 semaphore(%arg10 : memref<!tpu.dma_semaphore, #tpu.memory_space<semaphore_mem>>) src(%dma_wait3A_268 : memref<8x4096xf32, #tpu.memory_space<vmem>>) dst(%dma_wait3A_264 : memref<8x4096xf32, #tpu.memory_space<hbm>>)
        %dma_start3A_269 = arith.constant 0 : i32
        %dma_start3A_270 = arith.constant 0 : i32
        %dma_start3A_271 = arith.constant 0 : i32
        %dma_start3A_272 = tpu.memref_slice %arg6[%dma_start3A_269, %dma_start3A_270, %dma_start3A_271] : memref<3x8x4096xf32, #tpu.memory_space<vmem>> -> memref<1x8x4096xf32, #tpu.memory_space<vmem>>
        %dma_start3A_273 = tpu.memref_squeeze %dma_start3A_272 : memref<1x8x4096xf32, #tpu.memory_space<vmem>> -> memref<8x4096xf32, #tpu.memory_space<vmem>>
        %dma_start3A_274 = arith.constant 0 : i32
        %dma_start3A_275 = tpu.memref_slice %arg5[%add3A_171, %dma_start3A_274] : memref<128x8xi32, #tpu.memory_space<vmem>> -> memref<1x8xi32, #tpu.memory_space<vmem>>
        %dma_start3A_276 = tpu.memref_squeeze %dma_start3A_275 : memref<1x8xi32, #tpu.memory_space<vmem>> -> memref<8xi32, #tpu.memory_space<vmem>>
        %dma_start3A_277 = arith.constant 0 : i32
        %dma_start3A_278 = arith.constant 0 : i32
        %dma_start3A_279 = tpu.memref_slice %arg3[%dma_start3A_277, %dma_start3A_278] : memref<32000x4096xf32, #tpu.memory_space<hbm>> -> memref<32000x4096xf32, #tpu.memory_space<hbm>>
        tpu.enqueue_indirect_dma source(%dma_start3A_279 : memref<32000x4096xf32, #tpu.memory_space<hbm>>) target(%dma_start3A_273 : memref<8x4096xf32, #tpu.memory_space<vmem>>) offsets(%dma_start3A_276 : memref<8xi32, #tpu.memory_space<vmem>>) semaphore(%arg7 : memref<!tpu.dma_semaphore, #tpu.memory_space<semaphore_mem>>)
      } else {
      }
      %mul3A_174 = arith.constant 3 : i32
      %mul3A_175 = arith.muli %scan3A_135, %mul3A_174 : i32
      %add3A_176 = arith.constant 1 : i32
      %add3A_177 = arith.addi %mul3A_175, %add3A_176 : i32
      %add3A_178 = arith.constant 1 : i32
      %add3A_179 = arith.addi %add3A_177, %add3A_178 : i32
      %dma_wait3A_180 = arith.constant 0 : i32
      %dma_wait3A_181 = arith.constant 2 : i32
      %dma_wait3A_182 = arith.constant 0 : i32
      %dma_wait3A_183 = arith.constant 0 : i32
      %dma_wait3A_184 = tpu.memref_slice %arg6[%dma_wait3A_181, %dma_wait3A_182, %dma_wait3A_183] : memref<3x8x4096xf32, #tpu.memory_space<vmem>> -> memref<1x8x4096xf32, #tpu.memory_space<vmem>>
      %dma_wait3A_185 = tpu.memref_squeeze %dma_wait3A_184 : memref<1x8x4096xf32, #tpu.memory_space<vmem>> -> memref<8x4096xf32, #tpu.memory_space<vmem>>
      %dma_wait3A_186 = arith.constant 0 : i32
      %dma_wait3A_187 = tpu.memref_slice %arg5[%dma_wait3A_180, %dma_wait3A_186] : memref<128x8xi32, #tpu.memory_space<vmem>> -> memref<1x8xi32, #tpu.memory_space<vmem>>
      %dma_wait3A_188 = tpu.memref_squeeze %dma_wait3A_187 : memref<1x8xi32, #tpu.memory_space<vmem>> -> memref<8xi32, #tpu.memory_space<vmem>>
      %dma_wait3A_189 = arith.constant 0 : i32
      %dma_wait3A_190 = arith.constant 0 : i32
      %dma_wait3A_191 = tpu.memref_slice %arg3[%dma_wait3A_189, %dma_wait3A_190] : memref<32000x4096xf32, #tpu.memory_space<hbm>> -> memref<32000x4096xf32, #tpu.memory_space<hbm>>
      tpu.wait_indirect_dma semaphore(%arg9 : memref<!tpu.dma_semaphore, #tpu.memory_space<semaphore_mem>>) src(%dma_wait3A_191 : memref<32000x4096xf32, #tpu.memory_space<hbm>>) dst(%dma_wait3A_185 : memref<8x4096xf32, #tpu.memory_space<vmem>>)
      %mul3A_192 = arith.constant 8 : i32
      %mul3A_193 = arith.muli %add3A_179, %mul3A_192 : i32
      %add3A_194 = arith.addi %mul3A_2, %mul3A_193 : i32
      %dma_start3A_195 = arith.constant 2 : i32
      %dma_start3A_196 = arith.constant 0 : i32
      %dma_start3A_197 = arith.constant 0 : i32
      %dma_start3A_198 = tpu.memref_slice %arg6[%dma_start3A_195, %dma_start3A_196, %dma_start3A_197] : memref<3x8x4096xf32, #tpu.memory_space<vmem>> -> memref<1x8x4096xf32, #tpu.memory_space<vmem>>
      %dma_start3A_199 = tpu.memref_squeeze %dma_start3A_198 : memref<1x8x4096xf32, #tpu.memory_space<vmem>> -> memref<8x4096xf32, #tpu.memory_space<vmem>>
      %dma_start3A_200 = arith.constant 0 : i32
      %dma_start3A_201 = tpu.memref_slice %arg4[%add3A_194, %dma_start3A_200] : memref<32768x4096xf32, #tpu.memory_space<hbm>> -> memref<8x4096xf32, #tpu.memory_space<hbm>>
      %dma_start3A_202 = arith.constant 0 : i32
      %dma_start3A_203 = tpu.memref_slice %arg4[%add3A_194, %dma_start3A_202] : memref<32768x4096xf32, #tpu.memory_space<hbm>> -> memref<8x4096xf32, #tpu.memory_space<hbm>>
      %dma_start3A_204 = arith.constant 0 : i32
      %dma_start3A_205 = arith.constant 0 : i32
      %dma_start3A_206 = tpu.memref_slice %arg6[%dma_start3A_195, %dma_start3A_204, %dma_start3A_205] : memref<3x8x4096xf32, #tpu.memory_space<vmem>> -> memref<1x8x4096xf32, #tpu.memory_space<vmem>>
      %dma_start3A_207 = tpu.memref_squeeze %dma_start3A_206 : memref<1x8x4096xf32, #tpu.memory_space<vmem>> -> memref<8x4096xf32, #tpu.memory_space<vmem>>
      tpu.enqueue_dma source(%dma_start3A_207 : memref<8x4096xf32, #tpu.memory_space<vmem>>) target(%dma_start3A_203 : memref<8x4096xf32, #tpu.memory_space<hbm>>) target_semaphore(%arg12 : memref<!tpu.dma_semaphore, #tpu.memory_space<semaphore_mem>>)
      %add3A_208 = arith.constant 2 : i32
      %add3A_209 = arith.addi %add3A_179, %add3A_208 : i32
      %lt3A_210 = arith.constant 128 : i32
      %lt3A_211 = arith.cmpi slt, %add3A_209, %lt3A_210 : i32
      %convert_element_type3A_212 = arith.extui %lt3A_211 : i1 to i32
      %cond3A_213 = arith.constant 0 : i32
      %cond3A_214 = arith.cmpi ne, %convert_element_type3A_212, %cond3A_213 : i32
      scf.if %cond3A_214 {
        %dma_wait3A_256 = arith.constant 1 : i32
        %dma_wait3A_257 = arith.constant 0 : i32
        %dma_wait3A_258 = arith.constant 0 : i32
        %dma_wait3A_259 = tpu.memref_slice %arg6[%dma_wait3A_256, %dma_wait3A_257, %dma_wait3A_258] : memref<3x8x4096xf32, #tpu.memory_space<vmem>> -> memref<1x8x4096xf32, #tpu.memory_space<vmem>>
        %dma_wait3A_260 = tpu.memref_squeeze %dma_wait3A_259 : memref<1x8x4096xf32, #tpu.memory_space<vmem>> -> memref<8x4096xf32, #tpu.memory_space<vmem>>
        %dma_wait3A_261 = arith.constant 0 : i32
        %dma_wait3A_262 = tpu.memref_slice %arg4[%mul3A_2, %dma_wait3A_261] : memref<32768x4096xf32, #tpu.memory_space<hbm>> -> memref<8x4096xf32, #tpu.memory_space<hbm>>
        %dma_wait3A_263 = arith.constant 0 : i32
        %dma_wait3A_264 = tpu.memref_slice %arg4[%mul3A_2, %dma_wait3A_263] : memref<32768x4096xf32, #tpu.memory_space<hbm>> -> memref<8x4096xf32, #tpu.memory_space<hbm>>
        %dma_wait3A_265 = arith.constant 0 : i32
        %dma_wait3A_266 = arith.constant 0 : i32
        %dma_wait3A_267 = tpu.memref_slice %arg6[%dma_wait3A_256, %dma_wait3A_265, %dma_wait3A_266] : memref<3x8x4096xf32, #tpu.memory_space<vmem>> -> memref<1x8x4096xf32, #tpu.memory_space<vmem>>
        %dma_wait3A_268 = tpu.memref_squeeze %dma_wait3A_267 : memref<1x8x4096xf32, #tpu.memory_space<vmem>> -> memref<8x4096xf32, #tpu.memory_space<vmem>>
        tpu.wait_dma2 semaphore(%arg11 : memref<!tpu.dma_semaphore, #tpu.memory_space<semaphore_mem>>) src(%dma_wait3A_268 : memref<8x4096xf32, #tpu.memory_space<vmem>>) dst(%dma_wait3A_264 : memref<8x4096xf32, #tpu.memory_space<hbm>>)
        %dma_start3A_269 = arith.constant 1 : i32
        %dma_start3A_270 = arith.constant 0 : i32
        %dma_start3A_271 = arith.constant 0 : i32
        %dma_start3A_272 = tpu.memref_slice %arg6[%dma_start3A_269, %dma_start3A_270, %dma_start3A_271] : memref<3x8x4096xf32, #tpu.memory_space<vmem>> -> memref<1x8x4096xf32, #tpu.memory_space<vmem>>
        %dma_start3A_273 = tpu.memref_squeeze %dma_start3A_272 : memref<1x8x4096xf32, #tpu.memory_space<vmem>> -> memref<8x4096xf32, #tpu.memory_space<vmem>>
        %dma_start3A_274 = arith.constant 0 : i32
        %dma_start3A_275 = tpu.memref_slice %arg5[%add3A_209, %dma_start3A_274] : memref<128x8xi32, #tpu.memory_space<vmem>> -> memref<1x8xi32, #tpu.memory_space<vmem>>
        %dma_start3A_276 = tpu.memref_squeeze %dma_start3A_275 : memref<1x8xi32, #tpu.memory_space<vmem>> -> memref<8xi32, #tpu.memory_space<vmem>>
        %dma_start3A_277 = arith.constant 0 : i32
        %dma_start3A_278 = arith.constant 0 : i32
        %dma_start3A_279 = tpu.memref_slice %arg3[%dma_start3A_277, %dma_start3A_278] : memref<32000x4096xf32, #tpu.memory_space<hbm>> -> memref<32000x4096xf32, #tpu.memory_space<hbm>>
        tpu.enqueue_indirect_dma source(%dma_start3A_279 : memref<32000x4096xf32, #tpu.memory_space<hbm>>) target(%dma_start3A_273 : memref<8x4096xf32, #tpu.memory_space<vmem>>) offsets(%dma_start3A_276 : memref<8xi32, #tpu.memory_space<vmem>>) semaphore(%arg8 : memref<!tpu.dma_semaphore, #tpu.memory_space<semaphore_mem>>)
      } else {
      }
      %mul3A_215 = arith.constant 3 : i32
      %mul3A_216 = arith.muli %scan3A_135, %mul3A_215 : i32
      %add3A_217 = arith.constant 1 : i32
      %add3A_218 = arith.addi %mul3A_216, %add3A_217 : i32
      %add3A_219 = arith.constant 2 : i32
      %add3A_220 = arith.addi %add3A_218, %add3A_219 : i32
      %dma_wait3A_221 = arith.constant 0 : i32
      %dma_wait3A_222 = arith.constant 0 : i32
      %dma_wait3A_223 = arith.constant 0 : i32
      %dma_wait3A_224 = arith.constant 0 : i32
      %dma_wait3A_225 = tpu.memref_slice %arg6[%dma_wait3A_222, %dma_wait3A_223, %dma_wait3A_224] : memref<3x8x4096xf32, #tpu.memory_space<vmem>> -> memref<1x8x4096xf32, #tpu.memory_space<vmem>>
      %dma_wait3A_226 = tpu.memref_squeeze %dma_wait3A_225 : memref<1x8x4096xf32, #tpu.memory_space<vmem>> -> memref<8x4096xf32, #tpu.memory_space<vmem>>
      %dma_wait3A_227 = arith.constant 0 : i32
      %dma_wait3A_228 = tpu.memref_slice %arg5[%dma_wait3A_221, %dma_wait3A_227] : memref<128x8xi32, #tpu.memory_space<vmem>> -> memref<1x8xi32, #tpu.memory_space<vmem>>
      %dma_wait3A_229 = tpu.memref_squeeze %dma_wait3A_228 : memref<1x8xi32, #tpu.memory_space<vmem>> -> memref<8xi32, #tpu.memory_space<vmem>>
      %dma_wait3A_230 = arith.constant 0 : i32
      %dma_wait3A_231 = arith.constant 0 : i32
      %dma_wait3A_232 = tpu.memref_slice %arg3[%dma_wait3A_230, %dma_wait3A_231] : memref<32000x4096xf32, #tpu.memory_space<hbm>> -> memref<32000x4096xf32, #tpu.memory_space<hbm>>
      tpu.wait_indirect_dma semaphore(%arg7 : memref<!tpu.dma_semaphore, #tpu.memory_space<semaphore_mem>>) src(%dma_wait3A_232 : memref<32000x4096xf32, #tpu.memory_space<hbm>>) dst(%dma_wait3A_226 : memref<8x4096xf32, #tpu.memory_space<vmem>>)
      %mul3A_233 = arith.constant 8 : i32
      %mul3A_234 = arith.muli %add3A_220, %mul3A_233 : i32
      %add3A_235 = arith.addi %mul3A_2, %mul3A_234 : i32
      %dma_start3A_236 = arith.constant 0 : i32
      %dma_start3A_237 = arith.constant 0 : i32
      %dma_start3A_238 = arith.constant 0 : i32
      %dma_start3A_239 = tpu.memref_slice %arg6[%dma_start3A_236, %dma_start3A_237, %dma_start3A_238] : memref<3x8x4096xf32, #tpu.memory_space<vmem>> -> memref<1x8x4096xf32, #tpu.memory_space<vmem>>
      %dma_start3A_240 = tpu.memref_squeeze %dma_start3A_239 : memref<1x8x4096xf32, #tpu.memory_space<vmem>> -> memref<8x4096xf32, #tpu.memory_space<vmem>>
      %dma_start3A_241 = arith.constant 0 : i32
      %dma_start3A_242 = tpu.memref_slice %arg4[%add3A_235, %dma_start3A_241] : memref<32768x4096xf32, #tpu.memory_space<hbm>> -> memref<8x4096xf32, #tpu.memory_space<hbm>>
      %dma_start3A_243 = arith.constant 0 : i32
      %dma_start3A_244 = tpu.memref_slice %arg4[%add3A_235, %dma_start3A_243] : memref<32768x4096xf32, #tpu.memory_space<hbm>> -> memref<8x4096xf32, #tpu.memory_space<hbm>>
      %dma_start3A_245 = arith.constant 0 : i32
      %dma_start3A_246 = arith.constant 0 : i32
      %dma_start3A_247 = tpu.memref_slice %arg6[%dma_start3A_236, %dma_start3A_245, %dma_start3A_246] : memref<3x8x4096xf32, #tpu.memory_space<vmem>> -> memref<1x8x4096xf32, #tpu.memory_space<vmem>>
      %dma_start3A_248 = tpu.memref_squeeze %dma_start3A_247 : memref<1x8x4096xf32, #tpu.memory_space<vmem>> -> memref<8x4096xf32, #tpu.memory_space<vmem>>
      tpu.enqueue_dma source(%dma_start3A_248 : memref<8x4096xf32, #tpu.memory_space<vmem>>) target(%dma_start3A_244 : memref<8x4096xf32, #tpu.memory_space<hbm>>) target_semaphore(%arg10 : memref<!tpu.dma_semaphore, #tpu.memory_space<semaphore_mem>>)
      %add3A_249 = arith.constant 2 : i32
      %add3A_250 = arith.addi %add3A_220, %add3A_249 : i32
      %lt3A_251 = arith.constant 128 : i32
      %lt3A_252 = arith.cmpi slt, %add3A_250, %lt3A_251 : i32
      %convert_element_type3A_253 = arith.extui %lt3A_252 : i1 to i32
      %cond3A_254 = arith.constant 0 : i32
      %cond3A_255 = arith.cmpi ne, %convert_element_type3A_253, %cond3A_254 : i32
      scf.if %cond3A_255 {
        %dma_wait3A_256 = arith.constant 2 : i32
        %dma_wait3A_257 = arith.constant 0 : i32
        %dma_wait3A_258 = arith.constant 0 : i32
        %dma_wait3A_259 = tpu.memref_slice %arg6[%dma_wait3A_256, %dma_wait3A_257, %dma_wait3A_258] : memref<3x8x4096xf32, #tpu.memory_space<vmem>> -> memref<1x8x4096xf32, #tpu.memory_space<vmem>>
        %dma_wait3A_260 = tpu.memref_squeeze %dma_wait3A_259 : memref<1x8x4096xf32, #tpu.memory_space<vmem>> -> memref<8x4096xf32, #tpu.memory_space<vmem>>
        %dma_wait3A_261 = arith.constant 0 : i32
        %dma_wait3A_262 = tpu.memref_slice %arg4[%mul3A_2, %dma_wait3A_261] : memref<32768x4096xf32, #tpu.memory_space<hbm>> -> memref<8x4096xf32, #tpu.memory_space<hbm>>
        %dma_wait3A_263 = arith.constant 0 : i32
        %dma_wait3A_264 = tpu.memref_slice %arg4[%mul3A_2, %dma_wait3A_263] : memref<32768x4096xf32, #tpu.memory_space<hbm>> -> memref<8x4096xf32, #tpu.memory_space<hbm>>
        %dma_wait3A_265 = arith.constant 0 : i32
        %dma_wait3A_266 = arith.constant 0 : i32
        %dma_wait3A_267 = tpu.memref_slice %arg6[%dma_wait3A_256, %dma_wait3A_265, %dma_wait3A_266] : memref<3x8x4096xf32, #tpu.memory_space<vmem>> -> memref<1x8x4096xf32, #tpu.memory_space<vmem>>
        %dma_wait3A_268 = tpu.memref_squeeze %dma_wait3A_267 : memref<1x8x4096xf32, #tpu.memory_space<vmem>> -> memref<8x4096xf32, #tpu.memory_space<vmem>>
        tpu.wait_dma2 semaphore(%arg12 : memref<!tpu.dma_semaphore, #tpu.memory_space<semaphore_mem>>) src(%dma_wait3A_268 : memref<8x4096xf32, #tpu.memory_space<vmem>>) dst(%dma_wait3A_264 : memref<8x4096xf32, #tpu.memory_space<hbm>>)
        %dma_start3A_269 = arith.constant 2 : i32
        %dma_start3A_270 = arith.constant 0 : i32
        %dma_start3A_271 = arith.constant 0 : i32
        %dma_start3A_272 = tpu.memref_slice %arg6[%dma_start3A_269, %dma_start3A_270, %dma_start3A_271] : memref<3x8x4096xf32, #tpu.memory_space<vmem>> -> memref<1x8x4096xf32, #tpu.memory_space<vmem>>
        %dma_start3A_273 = tpu.memref_squeeze %dma_start3A_272 : memref<1x8x4096xf32, #tpu.memory_space<vmem>> -> memref<8x4096xf32, #tpu.memory_space<vmem>>
        %dma_start3A_274 = arith.constant 0 : i32
        %dma_start3A_275 = tpu.memref_slice %arg5[%add3A_250, %dma_start3A_274] : memref<128x8xi32, #tpu.memory_space<vmem>> -> memref<1x8xi32, #tpu.memory_space<vmem>>
        %dma_start3A_276 = tpu.memref_squeeze %dma_start3A_275 : memref<1x8xi32, #tpu.memory_space<vmem>> -> memref<8xi32, #tpu.memory_space<vmem>>
        %dma_start3A_277 = arith.constant 0 : i32
        %dma_start3A_278 = arith.constant 0 : i32
        %dma_start3A_279 = tpu.memref_slice %arg3[%dma_start3A_277, %dma_start3A_278] : memref<32000x4096xf32, #tpu.memory_space<hbm>> -> memref<32000x4096xf32, #tpu.memory_space<hbm>>
        tpu.enqueue_indirect_dma source(%dma_start3A_279 : memref<32000x4096xf32, #tpu.memory_space<hbm>>) target(%dma_start3A_273 : memref<8x4096xf32, #tpu.memory_space<vmem>>) offsets(%dma_start3A_276 : memref<8xi32, #tpu.memory_space<vmem>>) semaphore(%arg9 : memref<!tpu.dma_semaphore, #tpu.memory_space<semaphore_mem>>)
      } else {
      }
    }
    %scan3A_68 = arith.constant 42 : i32
    %dma_wait3A_69 = arith.constant 0 : i32
    %dma_wait3A_70 = arith.constant 1 : i32
    %dma_wait3A_71 = arith.constant 0 : i32
    %dma_wait3A_72 = arith.constant 0 : i32
    %dma_wait3A_73 = tpu.memref_slice %arg6[%dma_wait3A_70, %dma_wait3A_71, %dma_wait3A_72] : memref<3x8x4096xf32, #tpu.memory_space<vmem>> -> memref<1x8x4096xf32, #tpu.memory_space<vmem>>
    %dma_wait3A_74 = tpu.memref_squeeze %dma_wait3A_73 : memref<1x8x4096xf32, #tpu.memory_space<vmem>> -> memref<8x4096xf32, #tpu.memory_space<vmem>>
    %dma_wait3A_75 = arith.constant 0 : i32
    %dma_wait3A_76 = tpu.memref_slice %arg5[%dma_wait3A_69, %dma_wait3A_75] : memref<128x8xi32, #tpu.memory_space<vmem>> -> memref<1x8xi32, #tpu.memory_space<vmem>>
    %dma_wait3A_77 = tpu.memref_squeeze %dma_wait3A_76 : memref<1x8xi32, #tpu.memory_space<vmem>> -> memref<8xi32, #tpu.memory_space<vmem>>
    %dma_wait3A_78 = arith.constant 0 : i32
    %dma_wait3A_79 = arith.constant 0 : i32
    %dma_wait3A_80 = tpu.memref_slice %arg3[%dma_wait3A_78, %dma_wait3A_79] : memref<32000x4096xf32, #tpu.memory_space<hbm>> -> memref<32000x4096xf32, #tpu.memory_space<hbm>>
    tpu.wait_indirect_dma semaphore(%arg8 : memref<!tpu.dma_semaphore, #tpu.memory_space<semaphore_mem>>) src(%dma_wait3A_80 : memref<32000x4096xf32, #tpu.memory_space<hbm>>) dst(%dma_wait3A_74 : memref<8x4096xf32, #tpu.memory_space<vmem>>)
    %add3A_81 = arith.constant 1016 : i32
    %add3A_82 = arith.addi %mul3A_2, %add3A_81 : i32
    %dma_start3A_83 = arith.constant 1 : i32
    %dma_start3A_84 = arith.constant 0 : i32
    %dma_start3A_85 = arith.constant 0 : i32
    %dma_start3A_86 = tpu.memref_slice %arg6[%dma_start3A_83, %dma_start3A_84, %dma_start3A_85] : memref<3x8x4096xf32, #tpu.memory_space<vmem>> -> memref<1x8x4096xf32, #tpu.memory_space<vmem>>
    %dma_start3A_87 = tpu.memref_squeeze %dma_start3A_86 : memref<1x8x4096xf32, #tpu.memory_space<vmem>> -> memref<8x4096xf32, #tpu.memory_space<vmem>>
    %dma_start3A_88 = arith.constant 0 : i32
    %dma_start3A_89 = tpu.memref_slice %arg4[%add3A_82, %dma_start3A_88] : memref<32768x4096xf32, #tpu.memory_space<hbm>> -> memref<8x4096xf32, #tpu.memory_space<hbm>>
    %dma_start3A_90 = arith.constant 0 : i32
    %dma_start3A_91 = tpu.memref_slice %arg4[%add3A_82, %dma_start3A_90] : memref<32768x4096xf32, #tpu.memory_space<hbm>> -> memref<8x4096xf32, #tpu.memory_space<hbm>>
    %dma_start3A_92 = arith.constant 0 : i32
    %dma_start3A_93 = arith.constant 0 : i32
    %dma_start3A_94 = tpu.memref_slice %arg6[%dma_start3A_83, %dma_start3A_92, %dma_start3A_93] : memref<3x8x4096xf32, #tpu.memory_space<vmem>> -> memref<1x8x4096xf32, #tpu.memory_space<vmem>>
    %dma_start3A_95 = tpu.memref_squeeze %dma_start3A_94 : memref<1x8x4096xf32, #tpu.memory_space<vmem>> -> memref<8x4096xf32, #tpu.memory_space<vmem>>
    tpu.enqueue_dma source(%dma_start3A_95 : memref<8x4096xf32, #tpu.memory_space<vmem>>) target(%dma_start3A_91 : memref<8x4096xf32, #tpu.memory_space<hbm>>) target_semaphore(%arg11 : memref<!tpu.dma_semaphore, #tpu.memory_space<semaphore_mem>>)
    %dma_wait3A_96 = arith.constant 0 : i32
    %dma_wait3A_97 = arith.constant 0 : i32
    %dma_wait3A_98 = arith.constant 0 : i32
    %dma_wait3A_99 = tpu.memref_slice %arg6[%dma_wait3A_96, %dma_wait3A_97, %dma_wait3A_98] : memref<3x8x4096xf32, #tpu.memory_space<vmem>> -> memref<1x8x4096xf32, #tpu.memory_space<vmem>>
    %dma_wait3A_100 = tpu.memref_squeeze %dma_wait3A_99 : memref<1x8x4096xf32, #tpu.memory_space<vmem>> -> memref<8x4096xf32, #tpu.memory_space<vmem>>
    %dma_wait3A_101 = arith.constant 0 : i32
    %dma_wait3A_102 = tpu.memref_slice %arg4[%mul3A_2, %dma_wait3A_101] : memref<32768x4096xf32, #tpu.memory_space<hbm>> -> memref<8x4096xf32, #tpu.memory_space<hbm>>
    %dma_wait3A_103 = arith.constant 0 : i32
    %dma_wait3A_104 = tpu.memref_slice %arg4[%mul3A_2, %dma_wait3A_103] : memref<32768x4096xf32, #tpu.memory_space<hbm>> -> memref<8x4096xf32, #tpu.memory_space<hbm>>
    %dma_wait3A_105 = arith.constant 0 : i32
    %dma_wait3A_106 = arith.constant 0 : i32
    %dma_wait3A_107 = tpu.memref_slice %arg6[%dma_wait3A_96, %dma_wait3A_105, %dma_wait3A_106] : memref<3x8x4096xf32, #tpu.memory_space<vmem>> -> memref<1x8x4096xf32, #tpu.memory_space<vmem>>
    %dma_wait3A_108 = tpu.memref_squeeze %dma_wait3A_107 : memref<1x8x4096xf32, #tpu.memory_space<vmem>> -> memref<8x4096xf32, #tpu.memory_space<vmem>>
    tpu.wait_dma2 semaphore(%arg10 : memref<!tpu.dma_semaphore, #tpu.memory_space<semaphore_mem>>) src(%dma_wait3A_108 : memref<8x4096xf32, #tpu.memory_space<vmem>>) dst(%dma_wait3A_104 : memref<8x4096xf32, #tpu.memory_space<hbm>>)
    %dma_wait3A_109 = arith.constant 1 : i32
    %dma_wait3A_110 = arith.constant 0 : i32
    %dma_wait3A_111 = arith.constant 0 : i32
    %dma_wait3A_112 = tpu.memref_slice %arg6[%dma_wait3A_109, %dma_wait3A_110, %dma_wait3A_111] : memref<3x8x4096xf32, #tpu.memory_space<vmem>> -> memref<1x8x4096xf32, #tpu.memory_space<vmem>>
    %dma_wait3A_113 = tpu.memref_squeeze %dma_wait3A_112 : memref<1x8x4096xf32, #tpu.memory_space<vmem>> -> memref<8x4096xf32, #tpu.memory_space<vmem>>
    %dma_wait3A_114 = arith.constant 0 : i32
    %dma_wait3A_115 = tpu.memref_slice %arg4[%mul3A_2, %dma_wait3A_114] : memref<32768x4096xf32, #tpu.memory_space<hbm>> -> memref<8x4096xf32, #tpu.memory_space<hbm>>
    %dma_wait3A_116 = arith.constant 0 : i32
    %dma_wait3A_117 = tpu.memref_slice %arg4[%mul3A_2, %dma_wait3A_116] : memref<32768x4096xf32, #tpu.memory_space<hbm>> -> memref<8x4096xf32, #tpu.memory_space<hbm>>
    %dma_wait3A_118 = arith.constant 0 : i32
    %dma_wait3A_119 = arith.constant 0 : i32
    %dma_wait3A_120 = tpu.memref_slice %arg6[%dma_wait3A_109, %dma_wait3A_118, %dma_wait3A_119] : memref<3x8x4096xf32, #tpu.memory_space<vmem>> -> memref<1x8x4096xf32, #tpu.memory_space<vmem>>
    %dma_wait3A_121 = tpu.memref_squeeze %dma_wait3A_120 : memref<1x8x4096xf32, #tpu.memory_space<vmem>> -> memref<8x4096xf32, #tpu.memory_space<vmem>>
    tpu.wait_dma2 semaphore(%arg11 : memref<!tpu.dma_semaphore, #tpu.memory_space<semaphore_mem>>) src(%dma_wait3A_121 : memref<8x4096xf32, #tpu.memory_space<vmem>>) dst(%dma_wait3A_117 : memref<8x4096xf32, #tpu.memory_space<hbm>>)
    %dma_wait3A_122 = arith.constant 2 : i32
    %dma_wait3A_123 = arith.constant 0 : i32
    %dma_wait3A_124 = arith.constant 0 : i32
    %dma_wait3A_125 = tpu.memref_slice %arg6[%dma_wait3A_122, %dma_wait3A_123, %dma_wait3A_124] : memref<3x8x4096xf32, #tpu.memory_space<vmem>> -> memref<1x8x4096xf32, #tpu.memory_space<vmem>>
    %dma_wait3A_126 = tpu.memref_squeeze %dma_wait3A_125 : memref<1x8x4096xf32, #tpu.memory_space<vmem>> -> memref<8x4096xf32, #tpu.memory_space<vmem>>
    %dma_wait3A_127 = arith.constant 0 : i32
    %dma_wait3A_128 = tpu.memref_slice %arg4[%mul3A_2, %dma_wait3A_127] : memref<32768x4096xf32, #tpu.memory_space<hbm>> -> memref<8x4096xf32, #tpu.memory_space<hbm>>
    %dma_wait3A_129 = arith.constant 0 : i32
    %dma_wait3A_130 = tpu.memref_slice %arg4[%mul3A_2, %dma_wait3A_129] : memref<32768x4096xf32, #tpu.memory_space<hbm>> -> memref<8x4096xf32, #tpu.memory_space<hbm>>
    %dma_wait3A_131 = arith.constant 0 : i32
    %dma_wait3A_132 = arith.constant 0 : i32
    %dma_wait3A_133 = tpu.memref_slice %arg6[%dma_wait3A_122, %dma_wait3A_131, %dma_wait3A_132] : memref<3x8x4096xf32, #tpu.memory_space<vmem>> -> memref<1x8x4096xf32, #tpu.memory_space<vmem>>
    %dma_wait3A_134 = tpu.memref_squeeze %dma_wait3A_133 : memref<1x8x4096xf32, #tpu.memory_space<vmem>> -> memref<8x4096xf32, #tpu.memory_space<vmem>>
    tpu.wait_dma2 semaphore(%arg12 : memref<!tpu.dma_semaphore, #tpu.memory_space<semaphore_mem>>) src(%dma_wait3A_134 : memref<8x4096xf32, #tpu.memory_space<vmem>>) dst(%dma_wait3A_130 : memref<8x4096xf32, #tpu.memory_space<hbm>>)
    return
  }
}

</mosaic_0001>

<sc_bundles>
// kernel: _gather_rows.3.cloned.1.call-start
scs
__scs_entry_jumppad:
0x0: {  	(pc) =	sbr.rel $0x88, $3  }
0x1: {  	(tag) =	ssettag $0x0;
	lr =	simm.s32 $0x1  }
0x2: {  	[smem:$0x3F9F] =	sst lr;
	_ =	strace $0xD0000000  }
0x3: {  	_ = 	snop  }
0x4: {  	_ = 	snop  }
0x5: {  	_ = 	snop  }
0x6: {  	_ = 	snop  }
0x7: {  	_ = 	snop  }
__scs_overlays_trampoline_lowered:
0x8: {  	[smem:$0x3FAE] =	sst s0  }
0x9: {  	[smem:$0x3FAF] =	sst s1  }
0xa: {  	[smem:$0x3FB0] =	sst s2  }
0xb: {  	[smem:$0x3FB1] =	sst s3  }
0xc: {  	[smem:$0x3FB2] =	sst s4  }
0xd: {  	[smem:$0x3FB3] =	sst s5  }
0xe: {  	[smem:$0x3FB4] =	sst s6  }
0xf: {  	[smem:$0x3FB5] =	sst s7  }
0x10: {  	[smem:$0x3FB6] =	sst s8  }
0x11: {  	[smem:$0x3FB7] =	sst s9;
	s0 =	simm.s32 @!p0 $0x0  }
0x12: {  	s1 =	sld [smem:$0x3F9D];
	s0 =	simm.s32 @p0 $0x1  }
0x13: {  	[smem:$0x3FB8] =	sst s0;
	s0 =	simm.s32 @!p1 $0x0  }
0x14: {  	s2 =	sld [smem:$0x3F9C];
	s0 =	simm.s32 @p1 $0x1  }
0x15: {  	[smem:$0x3FB9] =	sst s0;
	s0 =	simm.s32 @!p2 $0x0  }
0x16: {  	s3 =	sld [smem:$0x3FDB];
	s0 =	simm.s32 @p2 $0x1  }
0x17: {  	s4 =	simm.s32 $0x1BF5;
	[smem:$0x3FBB] =	sst s0  }
0x18: {  	s0 =	sld [smem:$0x3F9E];
	_ =	swait.ge [sflag:s4], $0x0  }
0x19: {  	s7 =	sld [smem:$0x3F9F]  }
0x1a: {  	s8 =	sadd.s32 $0xFFFFE003, lr  }
0x1b: {  	s9 =	sadd.s32 $0xFFFFFEF7, lr;
	s5 =	simm.s32 $0xFFFFFFFF;
	p2 =	slt.u32 s8, $0xFFFFF086  }
0x1c: {  	p1 =	slt.u32 s9, $0xF7A;
	s5 =	simm.s32 @!p2 $0x0  }
0x1d: {  	s5 =	simm.s32 @p1 $0x1;
	p0 =	seq.s32 s7, s2  }
0x1e: {  	s7 =	smul.u32 @!p0 $0xF7A, s2;
	p2 =	seq.s32 @!p0 s5, $0x0  }
0x1f: {  	s9 =	smul.u32 $0xF7A, s1;
	s8 =	simm.s32 @!p0 $0x1BF5;
	p2 =	por !p2, p0  }
0x20: {  	[sflag:s8] =	ssyncset.s32 @!p0 $0xFFFFF086;
	s6 =	sadd.s32 @!p0 s3, s7;
	s7 =	simm.s32 @!p0 $0x108  }
0x21: {  	s3 =	sadd.s32 s3, s9;
	s6 =	sadd.s32 @!p0 $0x88, s6;
	s7 =	simm.s32 @p2 $0x1082  }
0x22: {  	[simem:s7], [sflag:s8] =	dma.local @!p0 [hbm:s6], $0xF7A  }
0x23: {  	s9 =	sor.u32 $0xD0000000, s2;
	s6 =	simm.s32 $0x108;
	_ =	swait.ge @!p0 [sflag:s8], $0x0  }
0x24: {  	s3 =	sadd.s32 $0x88, s3;
	s6 =	simm.s32 @!p1 $0x1082;
	[sflag:s4] =	ssyncset.s32 $0xFFFFF086  }
0x25: {  	[simem:s6], [sflag:s4] =	dma.local [hbm:s3], $0xF7A  }
0x26: {  	[smem:$0x3F9F] =	sst s1;
	(tag) =	ssettag s2;
	_ =	strace s9  }
0x27: {  	s1 =	sld [smem:$0x3FAF]  }
0x28: {  	s2 =	sld [smem:$0x3FB0]  }
0x29: {  	s4 =	sld [smem:$0x3FB2]  }
0x2a: {  	p0 =	seq.s32 s5, $0x0;
	s5 =	sld [smem:$0x3FB3]  }
0x2b: {  	s6 =	sld [smem:$0x3FB4]  }
0x2c: {  	s7 =	sld [smem:$0x3FB5]  }
0x2d: {  	s3 =	simm.s32 $0x108;
	s8 =	sld [smem:$0x3FB6]  }
0x2e: {  	s3 =	simm.s32 @!p0 $0x1082;
	s9 =	sld [smem:$0x3FB7]  }
0x2f: {  	lr =	sadd.s32 s0, s3;
	s0 =	sld [smem:$0x3FAE]  }
0x30: {  	s3 =	sld [smem:$0x3FB1]  }
0x31: {  	[smem:$0x3FBA] =	sst s10  }
0x32: {  	s10 =	sld [smem:$0x3FB8];
	_ =	sdelay $0x3  }
0x33: {  	p0 =	seq.s32 s10, $0x1;
	s10 =	sld [smem:$0x3FBA];
	_ =	sdelay $0x3  }
0x34: {  	[smem:$0x3FBA] =	sst s10  }
0x35: {  	s10 =	sld [smem:$0x3FB9];
	_ =	sdelay $0x3  }
0x36: {  	p1 =	seq.s32 s10, $0x1;
	s10 =	sld [smem:$0x3FBA];
	_ =	sdelay $0x3  }
0x37: {  	[smem:$0x3FBA] =	sst s10  }
0x38: {  	s10 =	sld [smem:$0x3FBB]  }
0x39: {  	_ = 	snop;
	(pc) =	sbr.ind lr, $3  }
0x3a: {  	_ = 	snop  }
0x3b: {  	_ = 	snop  }
0x3c: {  	p2 =	seq.s32 s10, $0x1;
	s10 =	sld [smem:$0x3FBA]  }
0x3d: {  	_ =	shalt  }
0x3e: {  	_ =	shalt  }
0x3f: {  	_ =	shalt  }
0x40: {  	_ =	shalt  }
0x41: {  	_ =	shalt  }
0x42: {  	_ =	shalt  }
0x43: {  	_ =	shalt  }
0x44: {  	_ =	shalt  }
0x45: {  	_ =	shalt  }
0x46: {  	_ =	shalt  }
0x47: {  	_ =	shalt  }
0x48: {  	_ =	shalt  }
0x49: {  	_ =	shalt  }
0x4a: {  	_ =	shalt  }
0x4b: {  	_ =	shalt  }
0x4c: {  	_ =	shalt  }
0x4d: {  	_ =	shalt  }
0x4e: {  	_ =	shalt  }
0x4f: {  	_ =	shalt  }
0x50: {  	_ =	shalt  }
0x51: {  	_ =	shalt  }
0x52: {  	_ =	shalt  }
0x53: {  	_ =	shalt  }
0x54: {  	_ =	shalt  }
0x55: {  	_ =	shalt  }
0x56: {  	_ =	shalt  }
0x57: {  	_ =	shalt  }
0x58: {  	_ =	shalt  }
0x59: {  	_ =	shalt  }
0x5a: {  	_ =	shalt  }
0x5b: {  	_ =	shalt  }
0x5c: {  	_ =	shalt  }
0x5d: {  	_ =	shalt  }
0x5e: {  	_ =	shalt  }
0x5f: {  	_ =	shalt  }
0x60: {  	_ =	shalt  }
0x61: {  	_ =	shalt  }
0x62: {  	_ =	shalt  }
0x63: {  	_ =	shalt  }
0x64: {  	_ =	shalt  }
0x65: {  	_ =	shalt  }
0x66: {  	_ =	shalt  }
0x67: {  	_ =	shalt  }
0x68: {  	_ =	shalt  }
0x69: {  	_ =	shalt  }
0x6a: {  	_ =	shalt  }
0x6b: {  	_ =	shalt  }
0x6c: {  	_ =	shalt  }
0x6d: {  	_ =	shalt  }
0x6e: {  	_ =	shalt  }
0x6f: {  	_ =	shalt  }
0x70: {  	_ =	shalt  }
0x71: {  	_ =	shalt  }
0x72: {  	_ =	shalt  }
0x73: {  	_ =	shalt  }
0x74: {  	_ =	shalt  }
0x75: {  	_ =	shalt  }
0x76: {  	_ =	shalt  }
0x77: {  	_ =	shalt  }
0x78: {  	_ =	shalt  }
0x79: {  	_ =	shalt  }
0x7a: {  	_ =	shalt  }
0x7b: {  	_ =	shalt  }
0x7c: {  	_ =	shalt  }
0x7d: {  	_ =	shalt  }
0x7e: {  	_ =	shalt  }
0x7f: {  	_ =	shalt  }
0x80: {  	_ =	shalt  }
0x81: {  	_ =	shalt  }
0x82: {  	_ =	shalt  }
0x83: {  	_ =	shalt  }
0x84: {  	_ =	shalt  }
0x85: {  	_ =	shalt  }
0x86: {  	_ =	shalt  }
0x87: {  	_ =	shalt  }
.Lfunc_end0:
.L_simem_size_0:
called_computation_lowered:
.L_overlay_start_0:
0x88: {  	s2 =	sld [smem:$0x3FD9]  }
0x89: {  	s3 =	sld [smem:$0x3FFE];
	_ =	sdelay $0x1  }
0x8a: {  	s1 =	srdreg.scid  }
0x8b: {  	s0 =	sand.u32 $0x1, s1  }
0x8c: {  	s17 =	sshll.u32 s0, $0xA;
	s2 =	sadd.s32 s3, s2  }
0x8d: {  	s2 =	sadd.s32 s2, s17  }
0x8e: {  	[smem:$0x3FC6] =	sst s2  }
0x8f: {  	_ = 	snop  }
0x90: {  	s2 =	sld [smem:$0x3FC8]  }
0x91: {  	s18 =	sld [smem:$0x3FD0];
	(tm) =	ssettm $0x1  }
0x92: {  	s4 =	sld [smem:$0x3FFB];
	_ =	sdelay $0x3  }
0x93: {  	_ =	strace s4  }
0x94: {  	s4 =	sld [smem:$0x3FFC];
	_ =	sdelay $0x3  }
0x95: {  	_ =	strace s4  }
0x96: {  	s4 =	sld [smem:$0x3FFD];
	_ =	sdelay $0x3  }
0x97: {  	_ =	strace s4  }
0x98: {  	_ =	strace $0x8FFFFFFF  }
0x99: {  	s19 =	sld [smem:$0x3FDB];
	_ =	sdelay $0x1  }
0x9a: {  	s5 =	simm.s32 $_scs_section_size  }
0x9b: {  	s6 =	simm.s32 $_size__tile_overlayer_lowered;
	s7 =	simm.s32 $_tile_overlayer_lowered  }
0x9c: {  	s22 =	simm.s32 $0x1BFF;
	s21 =	sshll.u32 s7, $0x1;
	s4 =	sadd.s32 s5, s19  }
0x9d: {  	s8 =	simm.s32 $0x0;
	s20 =	sshll.u32 s6, $0x1;
	s6 =	sadd.s32 s21, s4  }
0x9e: {  	[timem:s8], [sflag:s22] =	dma.local [hbm:s6], s20  }
0x9f: {  	_ =	swait.ge [sflag:s22], s20  }
0xa0: {  	s5 =	ssub.s32 $0x0, s20;
	[sflag:s22] =	ssyncset.done $0x0  }
0xa1: {  	[sflag:s22] =	ssyncadd.s32 s5;
	_ =	sdelay $0x1  }
0xa2: {  	s23 =	simm.s32 $0x1B8B  }
0xa3: {  	_ =	swait.ge [sflag:s23], $0x1  }
0xa4: {  	[sflag:s23] =	ssyncset.done $0x0  }
0xa5: {  	s25 =	simm.s32 $0x1B8E;
	s24 =	sld [smem:$0x3FFE];
	[sflag:s23] =	ssyncadd.s32 $0xFFFFFFFF  }
0xa6: {  	s26 =	simm.s32 $execute0_lowered;
	[smem:$0x3FD2] =	sst s25  }
0xa7: {  	s6 =	sshll.u32 s26, $0x1;
	_ =	strace $0x80000046;
	[dreg:$0x1] =	wrdreg $0xFFFFFFFF  }
0xa8: {  	s28 =	simm.s32 $_size_execute0_lowered;
	s4 =	sadd.s32 s4, s6;
	[dreg:$0x0] =	wrdreg $0x0  }
0xa9: {  	s6 =	sshll.u32 s28, $0x1;
	[dreg:$0x2] =	wrdreg s4  }
0xaa: {  	[dreg:$0x3] =	wrdreg s6  }
0xab: {  	[dreg:$0x4] =	wrdreg $0xC0  }
0xac: {  	_ =	task [dreg:s8], $0x5FFFF  }
0xad: {  	[dreg:$0x1] =	wrdreg $0xFFFFFFFF  }
0xae: {  	[dreg:$0x0] =	wrdreg $0x60  }
0xaf: {  	[dreg:$0x2] =	wrdreg s24  }
0xb0: {  	[dreg:$0x3] =	wrdreg s2  }
0xb1: {  	[dreg:$0x4] =	wrdreg s18  }
0xb2: {  	[dreg:$0x5] =	wrdreg $0x9  }
0xb3: {  	_ =	task.clear_ibuf [dreg:s8], $0x6FFFF;
	_ =	strace $0x90000046  }
0xb4: {  	s29 =	simm.s32 $0x9;
	_ =	strace $0x80000048  }
0xb5: {  	_ =	swait.ge [sflag:s29], $0x1  }
0xb6: {  	[sflag:s29] =	ssyncadd.s32 $0xFFFFFFFF  }
0xb7: {  	_ =	strace $0x90000048  }
0xb8: {  	_ =	sfence  }
0xb9: {  	s30 =	sld [smem:$0x0];
	_ =	sdelay $0x2  }
0xba: {  	s31 =	sshll.u32 s1, $0xD;
	s1 =	sshrl.u32 s1, $0x2  }
0xbb: {  	s3 =	sand.u32 $0x4000, s31;
	s1 =	sadd.s32 s1, s30  }
0xbc: {  	s0 =	sor.u32 s3, s0;
	s1 =	sshll.u32 s1, $0x11  }
0xbd: {  	s0 =	sor.u32 s1, s0  }
0xbe: {  	s0 =	sadd.s32 $0x8F2B, s0  }
0xbf: {  	[sflag:s0] =	ssyncadd.remote.s32 $0x1  }
0xc0: {  	_ =	sfence.sel $0xFFFF  }
0xc1: {  	[dreg:$0x0] =	wrdreg $0xFFFFFFFF;
	(pc) =	sbr.abs _section_cstart, $3  }
0xc2: {  	[dreg:$0x1] =	wrdreg $0xFFFFFFFF  }
0xc3: {  	_ =	task.clear_ibuf [dreg:s8], $0x2FFFF;
	_ =	strace $0x9FFFFFFF  }
0xc4: {  	(tm) =	ssettm $0x7FFFFFFF  }
0xc5: {  	_ =	shalt  }
tec
execute0_lowered:
.L_overlay_start_1:
0x0: {  	(tag) =	ssettag $0x1  }
0x1: {  	s0 =	rddreg [dreg:$0x0]  }
0x2: {  	s2 =	rddreg [dreg:$0x1]  }
0x3: {  	s1 =	srdreg.scid;
	s21 =	stileid.u32  }
0x4: {  	s4 =	rddreg [dreg:$0x2];
	s3 =	simm.s32 $0x0;
	s30 =	simm.s32 $0xC000  }
0x5: {  	s22 =	simm.s32 $0x14000;
	s24 =	simm.s32 $0x2;
	s31 =	simm.s32 $0x4  }
0x6: {  	s28 =	simm.s32 $0x6;
	s1 =	sand.u32 $0x1, s1;
	s5 =	sshll.u32 s21, $0x1  }
0x7: {  	[smem:$0x7FF] =	sst s3;
	s7 =	sadd.s32 $0x300, s2;
	s8 =	sadd.s32 $0x400, s2  }
0x8: {  	s9 =	sadd.s32 $0x500, s2;
	s10 =	sadd.s32 $0x600, s2;
	s11 =	sadd.s32 $0x700, s2  }
0x9: {  	s12 =	sadd.s32 $0x800, s2;
	s13 =	sadd.s32 $0x900, s2;
	s14 =	sadd.s32 $0xA00, s2  }
0xa: {  	s15 =	sadd.s32 $0xB00, s2;
	s16 =	sadd.s32 $0xC00, s2;
	s18 =	sadd.s32 $0xE00, s2  }
0xb: {  	s20 =	sadd.s32 $0xF00, s2;
	s29 =	sshll.u32 s21, $0x14;
	s21 =	simm.s32 $0x1  }
0xc: {  	s17 =	sor.u32 s1, s5;
	s6 =	ssub.s32 $0x2, s1;
	_ =	strace $0x80000047  }
0xd: {  	s1 =	sshll.u32 s1, $0x13;
	s5 =	sshll.u32 s17, $0xB;
	s25 =	sshrl.u32 s6, $0x1  }
0xe: {  	s26 =	sshll.u32 s17, $0x13;
	s17 =	sadd.s32 $0xD00, s2;
	s0 =	sadd.s32 s5, s0  }
0xf: {  	s19 =	ssub.s32 s6, s25;
	s5 =	sadd.s32 $0x100, s2;
	s0 =	sadd.s32 $0x400, s0  }
.Ltmp0:
0x10: {  	s19 =	smax.u32 s19, $0x1;
	[dreg:$0x4] =	wrdreg s0;
	(pc) =	sbr.rel .LBB2_1-.Ltmp0, $4  }
0x11: {  	s6 =	sadd.s32 $0x200, s2;
	s0 =	sadd.s32 s4, s26;
	[dreg:$0x7] =	wrdreg s19  }
0x12: {  	v0 =	vlaneseq.u32;
	s25 =	simm.s32 $0x4000;
	[dreg:$0x5] =	wrdreg s0;
	s0 =	sadd.s32 $0x7F000, s0  }
0x13: {  	v1 =	vshrl.u32 v0, $0x3;
	s26 =	simm.s32 $0x3;
	[dreg:$0x6] =	wrdreg s0;
	s0 =	sadd.s32 s29, s4  }
0x14: {  	vm0 =	vmmov $0xffff;
	v0 =	vand.u32 $0x7, v0;
	v1 =	vmul.u32 $0x8, v1;
	s4 =	simm.s32 $0x0;
	s23 =	sadd.s32 s1, s0;
	s1 =	simm.s32 $0x5  }
.LBB2_4:
0x15: {  	_ =	swait.ge [sflag:s24], $0x8000  }
0x16: {  	[sflag:s24] =	ssyncset.done $0x0  }
0x17: {  	s0 =	rddreg [dreg:$0x6];
	[sflag:s24] =	ssyncadd.s32 $0xFFFF8000  }
0x18: {  	[hbm4b:s0+s3] =	stream.linear.scatter [tilespmem:s30], [sflag:$0x5], $0x8000, $0x38;
	[tilespmem:$0x1C000] =	vst v63  }
0x19: {  	_ =	swait.ge [sflag:s31], $0x8000  }
0x1a: {  	[sflag:s31] =	ssyncset.done $0x0  }
0x1b: {  	[sflag:s31] =	ssyncadd.s32 $0xFFFF8000  }
0x1c: {  	_ =	swait.ge [sflag:s1], $0x8000  }
0x1d: {  	[sflag:s1] =	ssyncset.done $0x0  }
0x1e: {  	[sflag:s1] =	ssyncadd.s32 $0xFFFF8000  }
0x1f: {  	_ =	swait.ge [sflag:s28], $0x8000  }
0x20: {  	s4 =	rddreg [dreg:$0x8]  }
0x21: {  	s29 =	rddreg [dreg:$0x7];
	s4 =	sadd.s32 $0x1, s4  }
0x22: {  	p0 =	sne.s32 s4, s29  }
.Ltmp1:
0x23: {  	_ = 	snop;
	(pc) =	sbr.rel @!p0 .LBB2_5-.Ltmp1, $3  }
0x24: {  	_ =	sdelay $0x1  }
0x25: {  	[sflag:s28] =	ssyncset.done $0x0  }
0x26: {  	[sflag:s28] =	ssyncadd.s32 $0xFFFF8000  }
.LBB2_1:
0x27: {  	[dreg:$0x8] =	wrdreg s4  }
0x28: {  	s0 =	rddreg [dreg:$0x4];
	s19 =	simm.s32 $0x7  }
0x29: {  	[tilespmem:s3], [sflag:$0x7] =	stream.linear.gather [hbm4b:s0+s3], $0x4000, $0x38;
	[tilespmem:$0x1C000] =	vst v63  }
0x2a: {  	_ =	swait.ge [sflag:s19], $0x4000  }
0x2b: {  	[sflag:s19] =	ssyncset.done $0x0  }
0x2c: {  	[sflag:s19] =	ssyncadd.s32 $0xFFFFC000  }
0x2d: {  	v2 =	vld.msk [tilespmem:$0x0], $0xff;
	_ =	sdelay $0x4  }
0x2e: {  	v3 =	vshll.u32 v2, $0x5  }
0x2f: {  	v2 =	vand.u32 $0x7, v2;
	v3 =	vand.u32 $0xFFFFFF00, v3  }
0x30: {  	v2 =	vor.u32 v2, v3  }
0x31: {  	v2 =	vperm.xlane v2, v0;
	_ =	sdelay $0x1  }
0x32: {  	v2 =	vadd.s32 v1, v2;
	_ =	sdelay $0x4  }
0x33: {  	[tilespmem:s25], [sflag:$0x1] =	stream.indirect_vreg.gather [hbm4b:s2+s3], $0x80, v2, vm0, $0xb8;
	[tilespmem:$0x1C000] =	vst v63  }
0x34: {  	s29 =	simm.s32 $0x4800  }
0x35: {  	[tilespmem:s29], [sflag:$0x1] =	stream.indirect_vreg.gather [hbm4b:s5+s3], $0x80, v2, vm0, $0xb8;
	[tilespmem:$0x1C000] =	vst v63  }
0x36: {  	s4 =	simm.s32 $0x5000  }
0x37: {  	[tilespmem:s4], [sflag:$0x1] =	stream.indirect_vreg.gather [hbm4b:s6+s3], $0x80, v2, vm0, $0xb8;
	[tilespmem:$0x1C000] =	vst v63  }
0x38: {  	s19 =	simm.s32 $0x5800  }
0x39: {  	[tilespmem:s19], [sflag:$0x1] =	stream.indirect_vreg.gather [hbm4b:s7+s3], $0x80, v2, vm0, $0xb8;
	[tilespmem:$0x1C000] =	vst v63  }
0x3a: {  	s29 =	simm.s32 $0x6000  }
0x3b: {  	[tilespmem:s29], [sflag:$0x1] =	stream.indirect_vreg.gather [hbm4b:s8+s3], $0x80, v2, vm0, $0xb8;
	[tilespmem:$0x1C000] =	vst v63  }
0x3c: {  	s4 =	simm.s32 $0x6800  }
0x3d: {  	[tilespmem:s4], [sflag:$0x1] =	stream.indirect_vreg.gather [hbm4b:s9+s3], $0x80, v2, vm0, $0xb8;
	[tilespmem:$0x1C000] =	vst v63  }
0x3e: {  	s19 =	simm.s32 $0x7000  }
0x3f: {  	[tilespmem:s19], [sflag:$0x1] =	stream.indirect_vreg.gather [hbm4b:s10+s3], $0x80, v2, vm0, $0xb8;
	[tilespmem:$0x1C000] =	vst v63  }
0x40: {  	s29 =	simm.s32 $0x7800  }
0x41: {  	[tilespmem:s29], [sflag:$0x1] =	stream.indirect_vreg.gather [hbm4b:s11+s3], $0x80, v2, vm0, $0xb8;
	[tilespmem:$0x1C000] =	vst v63  }
0x42: {  	s4 =	simm.s32 $0x8000  }
0x43: {  	[tilespmem:s4], [sflag:$0x1] =	stream.indirect_vreg.gather [hbm4b:s12+s3], $0x80, v2, vm0, $0xb8;
	[tilespmem:$0x1C000] =	vst v63  }
0x44: {  	s19 =	simm.s32 $0x8800  }
0x45: {  	[tilespmem:s19], [sflag:$0x1] =	stream.indirect_vreg.gather [hbm4b:s13+s3], $0x80, v2, vm0, $0xb8;
	[tilespmem:$0x1C000] =	vst v63  }
0x46: {  	s29 =	simm.s32 $0x9000  }
0x47: {  	[tilespmem:s29], [sflag:$0x1] =	stream.indirect_vreg.gather [hbm4b:s14+s3], $0x80, v2, vm0, $0xb8;
	[tilespmem:$0x1C000] =	vst v63  }
0x48: {  	s4 =	simm.s32 $0x9800  }
0x49: {  	[tilespmem:s4], [sflag:$0x1] =	stream.indirect_vreg.gather [hbm4b:s15+s3], $0x80, v2, vm0, $0xb8;
	[tilespmem:$0x1C000] =	vst v63  }
0x4a: {  	s19 =	simm.s32 $0xA000  }
0x4b: {  	[tilespmem:s19], [sflag:$0x1] =	stream.indirect_vreg.gather [hbm4b:s16+s3], $0x80, v2, vm0, $0xb8;
	[tilespmem:$0x1C000] =	vst v63  }
0x4c: {  	s29 =	simm.s32 $0xA800  }
0x4d: {  	[tilespmem:s29], [sflag:$0x1] =	stream.indirect_vreg.gather [hbm4b:s17+s3], $0x80, v2, vm0, $0xb8;
	[tilespmem:$0x1C000] =	vst v63  }
0x4e: {  	s4 =	simm.s32 $0xB000  }
0x4f: {  	[tilespmem:s4], [sflag:$0x1] =	stream.indirect_vreg.gather [hbm4b:s18+s3], $0x80, v2, vm0, $0xb8;
	[tilespmem:$0x1C000] =	vst v63  }
0x50: {  	s19 =	simm.s32 $0xB800  }
0x51: {  	[tilespmem:s19], [sflag:$0x1] =	stream.indirect_vreg.gather [hbm4b:s20+s3], $0x80, v2, vm0, $0xb8;
	[tilespmem:$0x1C000] =	vst v63  }
0x52: {  	v2 =	vld.msk [tilespmem:$0x80], $0xff;
	_ =	sdelay $0x4  }
0x53: {  	v3 =	vshll.u32 v2, $0x5  }
0x54: {  	v2 =	vand.u32 $0x7, v2;
	v3 =	vand.u32 $0xFFFFFF00, v3  }
0x55: {  	v2 =	vor.u32 v2, v3  }
0x56: {  	v2 =	vperm.xlane v2, v0;
	_ =	sdelay $0x1  }
0x57: {  	v2 =	vadd.s32 v1, v2;
	_ =	sdelay $0x4  }
0x58: {  	[tilespmem:s30], [sflag:$0x2] =	stream.indirect_vreg.gather [hbm4b:s2+s3], $0x80, v2, vm0, $0xb8;
	[tilespmem:$0x1C000] =	vst v63  }
0x59: {  	s29 =	simm.s32 $0xC800  }
0x5a: {  	[tilespmem:s29], [sflag:$0x2] =	stream.indirect_vreg.gather [hbm4b:s5+s3], $0x80, v2, vm0, $0xb8;
	[tilespmem:$0x1C000] =	vst v63  }
0x5b: {  	s4 =	simm.s32 $0xD000  }
0x5c: {  	[tilespmem:s4], [sflag:$0x2] =	stream.indirect_vreg.gather [hbm4b:s6+s3], $0x80, v2, vm0, $0xb8;
	[tilespmem:$0x1C000] =	vst v63  }
0x5d: {  	s19 =	simm.s32 $0xD800  }
0x5e: {  	[tilespmem:s19], [sflag:$0x2] =	stream.indirect_vreg.gather [hbm4b:s7+s3], $0x80, v2, vm0, $0xb8;
	[tilespmem:$0x1C000] =	vst v63  }
0x5f: {  	s29 =	simm.s32 $0xE000  }
0x60: {  	[tilespmem:s29], [sflag:$0x2] =	stream.indirect_vreg.gather [hbm4b:s8+s3], $0x80, v2, vm0, $0xb8;
	[tilespmem:$0x1C000] =	vst v63  }
0x61: {  	s4 =	simm.s32 $0xE800  }
0x62: {  	[tilespmem:s4], [sflag:$0x2] =	stream.indirect_vreg.gather [hbm4b:s9+s3], $0x80, v2, vm0, $0xb8;
	[tilespmem:$0x1C000] =	vst v63  }
0x63: {  	s19 =	simm.s32 $0xF000  }
0x64: {  	[tilespmem:s19], [sflag:$0x2] =	stream.indirect_vreg.gather [hbm4b:s10+s3], $0x80, v2, vm0, $0xb8;
	[tilespmem:$0x1C000] =	vst v63  }
0x65: {  	s29 =	simm.s32 $0xF800  }
0x66: {  	[tilespmem:s29], [sflag:$0x2] =	stream.indirect_vreg.gather [hbm4b:s11+s3], $0x80, v2, vm0, $0xb8;
	[tilespmem:$0x1C000] =	vst v63  }
0x67: {  	s4 =	simm.s32 $0x10000  }
0x68: {  	[tilespmem:s4], [sflag:$0x2] =	stream.indirect_vreg.gather [hbm4b:s12+s3], $0x80, v2, vm0, $0xb8;
	[tilespmem:$0x1C000] =	vst v63  }
0x69: {  	s19 =	simm.s32 $0x10800  }
0x6a: {  	[tilespmem:s19], [sflag:$0x2] =	stream.indirect_vreg.gather [hbm4b:s13+s3], $0x80, v2, vm0, $0xb8;
	[tilespmem:$0x1C000] =	vst v63  }
0x6b: {  	s29 =	simm.s32 $0x11000  }
0x6c: {  	[tilespmem:s29], [sflag:$0x2] =	stream.indirect_vreg.gather [hbm4b:s14+s3], $0x80, v2, vm0, $0xb8;
	[tilespmem:$0x1C000] =	vst v63  }
0x6d: {  	s4 =	simm.s32 $0x11800  }
0x6e: {  	[tilespmem:s4], [sflag:$0x2] =	stream.indirect_vreg.gather [hbm4b:s15+s3], $0x80, v2, vm0, $0xb8;
	[tilespmem:$0x1C000] =	vst v63  }
0x6f: {  	s19 =	simm.s32 $0x12000  }
0x70: {  	[tilespmem:s19], [sflag:$0x2] =	stream.indirect_vreg.gather [hbm4b:s16+s3], $0x80, v2, vm0, $0xb8;
	[tilespmem:$0x1C000] =	vst v63  }
0x71: {  	s29 =	simm.s32 $0x12800  }
0x72: {  	[tilespmem:s29], [sflag:$0x2] =	stream.indirect_vreg.gather [hbm4b:s17+s3], $0x80, v2, vm0, $0xb8;
	[tilespmem:$0x1C000] =	vst v63  }
0x73: {  	s4 =	simm.s32 $0x13000  }
0x74: {  	[tilespmem:s4], [sflag:$0x2] =	stream.indirect_vreg.gather [hbm4b:s18+s3], $0x80, v2, vm0, $0xb8;
	[tilespmem:$0x1C000] =	vst v63  }
0x75: {  	s19 =	simm.s32 $0x13800  }
0x76: {  	[tilespmem:s19], [sflag:$0x2] =	stream.indirect_vreg.gather [hbm4b:s20+s3], $0x80, v2, vm0, $0xb8;
	[tilespmem:$0x1C000] =	vst v63  }
0x77: {  	_ =	swait.ge [sflag:s21], $0x8000  }
0x78: {  	[sflag:s21] =	ssyncset.done $0x0  }
0x79: {  	s29 =	rddreg [dreg:$0x5];
	[sflag:s21] =	ssyncadd.s32 $0xFFFF8000  }
0x7a: {  	[hbm4b:s29+s3] =	stream.linear.scatter [tilespmem:s25], [sflag:$0x4], $0x8000, $0x38;
	[tilespmem:$0x1C000] =	vst v63  }
0x7b: {  	v2 =	vld.msk [tilespmem:$0x100], $0xff;
	_ =	sdelay $0x4  }
0x7c: {  	v3 =	vshll.u32 v2, $0x5  }
0x7d: {  	v2 =	vand.u32 $0x7, v2;
	v3 =	vand.u32 $0xFFFFFF00, v3  }
0x7e: {  	v2 =	vor.u32 v2, v3  }
0x7f: {  	v2 =	vperm.xlane v2, v0;
	_ =	sdelay $0x1  }
0x80: {  	v2 =	vadd.s32 v1, v2;
	_ =	sdelay $0x4  }
0x81: {  	[tilespmem:s22], [sflag:$0x3] =	stream.indirect_vreg.gather [hbm4b:s2+s3], $0x80, v2, vm0, $0xb8;
	[tilespmem:$0x1C000] =	vst v63  }
0x82: {  	s4 =	simm.s32 $0x14800  }
0x83: {  	[tilespmem:s4], [sflag:$0x3] =	stream.indirect_vreg.gather [hbm4b:s5+s3], $0x80, v2, vm0, $0xb8;
	[tilespmem:$0x1C000] =	vst v63  }
0x84: {  	s19 =	simm.s32 $0x15000  }
0x85: {  	[tilespmem:s19], [sflag:$0x3] =	stream.indirect_vreg.gather [hbm4b:s6+s3], $0x80, v2, vm0, $0xb8;
	[tilespmem:$0x1C000] =	vst v63  }
0x86: {  	s29 =	simm.s32 $0x15800  }
0x87: {  	[tilespmem:s29], [sflag:$0x3] =	stream.indirect_vreg.gather [hbm4b:s7+s3], $0x80, v2, vm0, $0xb8;
	[tilespmem:$0x1C000] =	vst v63  }
0x88: {  	s4 =	simm.s32 $0x16000  }
0x89: {  	[tilespmem:s4], [sflag:$0x3] =	stream.indirect_vreg.gather [hbm4b:s8+s3], $0x80, v2, vm0, $0xb8;
	[tilespmem:$0x1C000] =	vst v63  }
0x8a: {  	s19 =	simm.s32 $0x16800  }
0x8b: {  	[tilespmem:s19], [sflag:$0x3] =	stream.indirect_vreg.gather [hbm4b:s9+s3], $0x80, v2, vm0, $0xb8;
	[tilespmem:$0x1C000] =	vst v63  }
0x8c: {  	s29 =	simm.s32 $0x17000  }
0x8d: {  	[tilespmem:s29], [sflag:$0x3] =	stream.indirect_vreg.gather [hbm4b:s10+s3], $0x80, v2, vm0, $0xb8;
	[tilespmem:$0x1C000] =	vst v63  }
0x8e: {  	s4 =	simm.s32 $0x17800  }
0x8f: {  	[tilespmem:s4], [sflag:$0x3] =	stream.indirect_vreg.gather [hbm4b:s11+s3], $0x80, v2, vm0, $0xb8;
	[tilespmem:$0x1C000] =	vst v63  }
0x90: {  	s19 =	simm.s32 $0x18000  }
0x91: {  	[tilespmem:s19], [sflag:$0x3] =	stream.indirect_vreg.gather [hbm4b:s12+s3], $0x80, v2, vm0, $0xb8;
	[tilespmem:$0x1C000] =	vst v63  }
0x92: {  	s29 =	simm.s32 $0x18800  }
0x93: {  	[tilespmem:s29], [sflag:$0x3] =	stream.indirect_vreg.gather [hbm4b:s13+s3], $0x80, v2, vm0, $0xb8;
	[tilespmem:$0x1C000] =	vst v63  }
0x94: {  	s4 =	simm.s32 $0x19000  }
0x95: {  	[tilespmem:s4], [sflag:$0x3] =	stream.indirect_vreg.gather [hbm4b:s14+s3], $0x80, v2, vm0, $0xb8;
	[tilespmem:$0x1C000] =	vst v63  }
0x96: {  	s19 =	simm.s32 $0x19800  }
0x97: {  	[tilespmem:s19], [sflag:$0x3] =	stream.indirect_vreg.gather [hbm4b:s15+s3], $0x80, v2, vm0, $0xb8;
	[tilespmem:$0x1C000] =	vst v63  }
0x98: {  	s29 =	simm.s32 $0x1A000  }
0x99: {  	[tilespmem:s29], [sflag:$0x3] =	stream.indirect_vreg.gather [hbm4b:s16+s3], $0x80, v2, vm0, $0xb8;
	[tilespmem:$0x1C000] =	vst v63  }
0x9a: {  	s4 =	simm.s32 $0x1A800  }
0x9b: {  	[tilespmem:s4], [sflag:$0x3] =	stream.indirect_vreg.gather [hbm4b:s17+s3], $0x80, v2, vm0, $0xb8;
	[tilespmem:$0x1C000] =	vst v63  }
0x9c: {  	s19 =	simm.s32 $0x1B000  }
0x9d: {  	[tilespmem:s19], [sflag:$0x3] =	stream.indirect_vreg.gather [hbm4b:s18+s3], $0x80, v2, vm0, $0xb8;
	[tilespmem:$0x1C000] =	vst v63  }
0x9e: {  	s0 =	simm.s32 $0x280;
	s29 =	simm.s32 $0x1B800;
	s19 =	simm.s32 $0x0  }
0x9f: {  	[tilespmem:s29], [sflag:$0x3] =	stream.indirect_vreg.gather [hbm4b:s20+s3], $0x80, v2, vm0, $0xb8;
	[tilespmem:$0x1C000] =	vst v63  }
.LBB2_2:
0xa0: {  	_ =	swait.ge [sflag:s24], $0x8000  }
0xa1: {  	s4 =	sadd.s32 s19, s23;
	[sflag:s24] =	ssyncset.done $0x0  }
0xa2: {  	s29 =	sadd.s32 $0x1000, s4;
	[sflag:s24] =	ssyncadd.s32 $0xFFFF8000  }
0xa3: {  	[hbm4b:s29+s3] =	stream.linear.scatter [tilespmem:s30], [sflag:$0x5], $0x8000, $0x38;
	[tilespmem:$0x1C000] =	vst v63  }
0xa4: {  	_ =	swait.ge [sflag:s31], $0x8000  }
0xa5: {  	[sflag:s31] =	ssyncset.done $0x0  }
0xa6: {  	[sflag:s31] =	ssyncadd.s32 $0xFFFF8000  }
0xa7: {  	v2 =	vld.msk [tilespmem:s0+$0xFFFFFF00], $0xff;
	_ =	sdelay $0x4  }
0xa8: {  	v3 =	vshll.u32 v2, $0x5  }
0xa9: {  	v2 =	vand.u32 $0x7, v2;
	v3 =	vand.u32 $0xFFFFFF00, v3  }
0xaa: {  	v2 =	vor.u32 v2, v3  }
0xab: {  	v2 =	vperm.xlane v2, v0;
	_ =	sdelay $0x1  }
0xac: {  	v2 =	vadd.s32 v1, v2;
	_ =	sdelay $0x4  }
0xad: {  	[tilespmem:s25], [sflag:$0x1] =	stream.indirect_vreg.gather [hbm4b:s2+s3], $0x80, v2, vm0, $0xb8;
	[tilespmem:$0x1C000] =	vst v63  }
0xae: {  	s29 =	simm.s32 $0x4800  }
0xaf: {  	[tilespmem:s29], [sflag:$0x1] =	stream.indirect_vreg.gather [hbm4b:s5+s3], $0x80, v2, vm0, $0xb8;
	[tilespmem:$0x1C000] =	vst v63  }
0xb0: {  	s29 =	simm.s32 $0x5000  }
0xb1: {  	[tilespmem:s29], [sflag:$0x1] =	stream.indirect_vreg.gather [hbm4b:s6+s3], $0x80, v2, vm0, $0xb8;
	[tilespmem:$0x1C000] =	vst v63  }
0xb2: {  	s29 =	simm.s32 $0x5800  }
0xb3: {  	[tilespmem:s29], [sflag:$0x1] =	stream.indirect_vreg.gather [hbm4b:s7+s3], $0x80, v2, vm0, $0xb8;
	[tilespmem:$0x1C000] =	vst v63  }
0xb4: {  	s29 =	simm.s32 $0x6000  }
0xb5: {  	[tilespmem:s29], [sflag:$0x1] =	stream.indirect_vreg.gather [hbm4b:s8+s3], $0x80, v2, vm0, $0xb8;
	[tilespmem:$0x1C000] =	vst v63  }
0xb6: {  	s29 =	simm.s32 $0x6800  }
0xb7: {  	[tilespmem:s29], [sflag:$0x1] =	stream.indirect_vreg.gather [hbm4b:s9+s3], $0x80, v2, vm0, $0xb8;
	[tilespmem:$0x1C000] =	vst v63  }
0xb8: {  	s29 =	simm.s32 $0x7000  }
0xb9: {  	[tilespmem:s29], [sflag:$0x1] =	stream.indirect_vreg.gather [hbm4b:s10+s3], $0x80, v2, vm0, $0xb8;
	[tilespmem:$0x1C000] =	vst v63  }
0xba: {  	s29 =	simm.s32 $0x7800  }
0xbb: {  	[tilespmem:s29], [sflag:$0x1] =	stream.indirect_vreg.gather [hbm4b:s11+s3], $0x80, v2, vm0, $0xb8;
	[tilespmem:$0x1C000] =	vst v63  }
0xbc: {  	s29 =	simm.s32 $0x8000  }
0xbd: {  	[tilespmem:s29], [sflag:$0x1] =	stream.indirect_vreg.gather [hbm4b:s12+s3], $0x80, v2, vm0, $0xb8;
	[tilespmem:$0x1C000] =	vst v63  }
0xbe: {  	s29 =	simm.s32 $0x8800  }
0xbf: {  	[tilespmem:s29], [sflag:$0x1] =	stream.indirect_vreg.gather [hbm4b:s13+s3], $0x80, v2, vm0, $0xb8;
	[tilespmem:$0x1C000] =	vst v63  }
0xc0: {  	s29 =	simm.s32 $0x9000  }
0xc1: {  	[tilespmem:s29], [sflag:$0x1] =	stream.indirect_vreg.gather [hbm4b:s14+s3], $0x80, v2, vm0, $0xb8;
	[tilespmem:$0x1C000] =	vst v63  }
0xc2: {  	s29 =	simm.s32 $0x9800  }
0xc3: {  	[tilespmem:s29], [sflag:$0x1] =	stream.indirect_vreg.gather [hbm4b:s15+s3], $0x80, v2, vm0, $0xb8;
	[tilespmem:$0x1C000] =	vst v63  }
0xc4: {  	s29 =	simm.s32 $0xA000  }
0xc5: {  	[tilespmem:s29], [sflag:$0x1] =	stream.indirect_vreg.gather [hbm4b:s16+s3], $0x80, v2, vm0, $0xb8;
	[tilespmem:$0x1C000] =	vst v63  }
0xc6: {  	s29 =	simm.s32 $0xA800  }
0xc7: {  	[tilespmem:s29], [sflag:$0x1] =	stream.indirect_vreg.gather [hbm4b:s17+s3], $0x80, v2, vm0, $0xb8;
	[tilespmem:$0x1C000] =	vst v63  }
0xc8: {  	s29 =	simm.s32 $0xB000  }
0xc9: {  	[tilespmem:s29], [sflag:$0x1] =	stream.indirect_vreg.gather [hbm4b:s18+s3], $0x80, v2, vm0, $0xb8;
	[tilespmem:$0x1C000] =	vst v63  }
0xca: {  	s29 =	simm.s32 $0xB800  }
0xcb: {  	[tilespmem:s29], [sflag:$0x1] =	stream.indirect_vreg.gather [hbm4b:s20+s3], $0x80, v2, vm0, $0xb8;
	[tilespmem:$0x1C000] =	vst v63  }
0xcc: {  	_ =	swait.ge [sflag:s26], $0x8000  }
0xcd: {  	[sflag:s26] =	ssyncset.done $0x0  }
0xce: {  	s29 =	sadd.s32 $0x2000, s4;
	[sflag:s26] =	ssyncadd.s32 $0xFFFF8000  }
0xcf: {  	[hbm4b:s29+s3] =	stream.linear.scatter [tilespmem:s22], [sflag:$0x6], $0x8000, $0x38;
	[tilespmem:$0x1C000] =	vst v63  }
0xd0: {  	_ =	swait.ge [sflag:s1], $0x8000  }
0xd1: {  	[sflag:s1] =	ssyncset.done $0x0  }
0xd2: {  	[sflag:s1] =	ssyncadd.s32 $0xFFFF8000  }
0xd3: {  	v2 =	vld.msk [tilespmem:s0+$0xFFFFFF80], $0xff;
	_ =	sdelay $0x4  }
0xd4: {  	v3 =	vshll.u32 v2, $0x5  }
0xd5: {  	v2 =	vand.u32 $0x7, v2;
	v3 =	vand.u32 $0xFFFFFF00, v3  }
0xd6: {  	v2 =	vor.u32 v2, v3  }
0xd7: {  	v2 =	vperm.xlane v2, v0;
	_ =	sdelay $0x1  }
0xd8: {  	v2 =	vadd.s32 v1, v2;
	_ =	sdelay $0x4  }
0xd9: {  	[tilespmem:s30], [sflag:$0x2] =	stream.indirect_vreg.gather [hbm4b:s2+s3], $0x80, v2, vm0, $0xb8;
	[tilespmem:$0x1C000] =	vst v63  }
0xda: {  	s29 =	simm.s32 $0xC800  }
0xdb: {  	[tilespmem:s29], [sflag:$0x2] =	stream.indirect_vreg.gather [hbm4b:s5+s3], $0x80, v2, vm0, $0xb8;
	[tilespmem:$0x1C000] =	vst v63  }
0xdc: {  	s29 =	simm.s32 $0xD000  }
0xdd: {  	[tilespmem:s29], [sflag:$0x2] =	stream.indirect_vreg.gather [hbm4b:s6+s3], $0x80, v2, vm0, $0xb8;
	[tilespmem:$0x1C000] =	vst v63  }
0xde: {  	s29 =	simm.s32 $0xD800  }
0xdf: {  	[tilespmem:s29], [sflag:$0x2] =	stream.indirect_vreg.gather [hbm4b:s7+s3], $0x80, v2, vm0, $0xb8;
	[tilespmem:$0x1C000] =	vst v63  }
0xe0: {  	s29 =	simm.s32 $0xE000  }
0xe1: {  	[tilespmem:s29], [sflag:$0x2] =	stream.indirect_vreg.gather [hbm4b:s8+s3], $0x80, v2, vm0, $0xb8;
	[tilespmem:$0x1C000] =	vst v63  }
0xe2: {  	s29 =	simm.s32 $0xE800  }
0xe3: {  	[tilespmem:s29], [sflag:$0x2] =	stream.indirect_vreg.gather [hbm4b:s9+s3], $0x80, v2, vm0, $0xb8;
	[tilespmem:$0x1C000] =	vst v63  }
0xe4: {  	s29 =	simm.s32 $0xF000  }
0xe5: {  	[tilespmem:s29], [sflag:$0x2] =	stream.indirect_vreg.gather [hbm4b:s10+s3], $0x80, v2, vm0, $0xb8;
	[tilespmem:$0x1C000] =	vst v63  }
0xe6: {  	s29 =	simm.s32 $0xF800  }
0xe7: {  	[tilespmem:s29], [sflag:$0x2] =	stream.indirect_vreg.gather [hbm4b:s11+s3], $0x80, v2, vm0, $0xb8;
	[tilespmem:$0x1C000] =	vst v63  }
0xe8: {  	s29 =	simm.s32 $0x10000  }
0xe9: {  	[tilespmem:s29], [sflag:$0x2] =	stream.indirect_vreg.gather [hbm4b:s12+s3], $0x80, v2, vm0, $0xb8;
	[tilespmem:$0x1C000] =	vst v63  }
0xea: {  	s29 =	simm.s32 $0x10800  }
0xeb: {  	[tilespmem:s29], [sflag:$0x2] =	stream.indirect_vreg.gather [hbm4b:s13+s3], $0x80, v2, vm0, $0xb8;
	[tilespmem:$0x1C000] =	vst v63  }
0xec: {  	s29 =	simm.s32 $0x11000  }
0xed: {  	[tilespmem:s29], [sflag:$0x2] =	stream.indirect_vreg.gather [hbm4b:s14+s3], $0x80, v2, vm0, $0xb8;
	[tilespmem:$0x1C000] =	vst v63  }
0xee: {  	s29 =	simm.s32 $0x11800  }
0xef: {  	[tilespmem:s29], [sflag:$0x2] =	stream.indirect_vreg.gather [hbm4b:s15+s3], $0x80, v2, vm0, $0xb8;
	[tilespmem:$0x1C000] =	vst v63  }
0xf0: {  	s29 =	simm.s32 $0x12000  }
0xf1: {  	[tilespmem:s29], [sflag:$0x2] =	stream.indirect_vreg.gather [hbm4b:s16+s3], $0x80, v2, vm0, $0xb8;
	[tilespmem:$0x1C000] =	vst v63  }
0xf2: {  	s29 =	simm.s32 $0x12800  }
0xf3: {  	[tilespmem:s29], [sflag:$0x2] =	stream.indirect_vreg.gather [hbm4b:s17+s3], $0x80, v2, vm0, $0xb8;
	[tilespmem:$0x1C000] =	vst v63  }
0xf4: {  	s29 =	simm.s32 $0x13000  }
0xf5: {  	[tilespmem:s29], [sflag:$0x2] =	stream.indirect_vreg.gather [hbm4b:s18+s3], $0x80, v2, vm0, $0xb8;
	[tilespmem:$0x1C000] =	vst v63  }
0xf6: {  	p0 =	seq.s32 s19, $0x7B000;
	s29 =	simm.s32 $0x13800  }
0xf7: {  	[tilespmem:s29], [sflag:$0x2] =	stream.indirect_vreg.gather [hbm4b:s20+s3], $0x80, v2, vm0, $0xb8;
	[tilespmem:$0x1C000] =	vst v63  }
.Ltmp2:
0xf8: {  	_ = 	snop;
	(pc) =	sbr.rel @p0 .LBB2_4-.Ltmp2, $4  }
0xf9: {  	_ =	swait.ge [sflag:s21], $0x8000  }
0xfa: {  	[sflag:s21] =	ssyncset.done $0x0  }
0xfb: {  	s4 =	sadd.s32 $0x3000, s4;
	[sflag:s21] =	ssyncadd.s32 $0xFFFF8000  }
0xfc: {  	[hbm4b:s4+s3] =	stream.linear.scatter [tilespmem:s25], [sflag:$0x4], $0x8000, $0x38;
	[tilespmem:$0x1C000] =	vst v63  }
0xfd: {  	_ =	swait.ge [sflag:s28], $0x8000  }
0xfe: {  	[sflag:s28] =	ssyncset.done $0x0  }
0xff: {  	[sflag:s28] =	ssyncadd.s32 $0xFFFF8000  }
0x100: {  	v2 =	vld.msk [tilespmem:s0+$0x0], $0xff;
	_ =	sdelay $0x4  }
0x101: {  	v3 =	vshll.u32 v2, $0x5  }
0x102: {  	v2 =	vand.u32 $0x7, v2;
	v3 =	vand.u32 $0xFFFFFF00, v3  }
0x103: {  	v2 =	vor.u32 v2, v3  }
0x104: {  	v2 =	vperm.xlane v2, v0;
	_ =	sdelay $0x1  }
0x105: {  	v2 =	vadd.s32 v1, v2;
	_ =	sdelay $0x4  }
0x106: {  	[tilespmem:s22], [sflag:$0x3] =	stream.indirect_vreg.gather [hbm4b:s2+s3], $0x80, v2, vm0, $0xb8;
	[tilespmem:$0x1C000] =	vst v63  }
0x107: {  	s4 =	simm.s32 $0x14800  }
0x108: {  	[tilespmem:s4], [sflag:$0x3] =	stream.indirect_vreg.gather [hbm4b:s5+s3], $0x80, v2, vm0, $0xb8;
	[tilespmem:$0x1C000] =	vst v63  }
0x109: {  	s29 =	simm.s32 $0x15000  }
0x10a: {  	[tilespmem:s29], [sflag:$0x3] =	stream.indirect_vreg.gather [hbm4b:s6+s3], $0x80, v2, vm0, $0xb8;
	[tilespmem:$0x1C000] =	vst v63  }
0x10b: {  	s29 =	simm.s32 $0x15800  }
0x10c: {  	[tilespmem:s29], [sflag:$0x3] =	stream.indirect_vreg.gather [hbm4b:s7+s3], $0x80, v2, vm0, $0xb8;
	[tilespmem:$0x1C000] =	vst v63  }
0x10d: {  	s29 =	simm.s32 $0x16000  }
0x10e: {  	[tilespmem:s29], [sflag:$0x3] =	stream.indirect_vreg.gather [hbm4b:s8+s3], $0x80, v2, vm0, $0xb8;
	[tilespmem:$0x1C000] =	vst v63  }
0x10f: {  	s29 =	simm.s32 $0x16800  }
0x110: {  	[tilespmem:s29], [sflag:$0x3] =	stream.indirect_vreg.gather [hbm4b:s9+s3], $0x80, v2, vm0, $0xb8;
	[tilespmem:$0x1C000] =	vst v63  }
0x111: {  	s29 =	simm.s32 $0x17000  }
0x112: {  	[tilespmem:s29], [sflag:$0x3] =	stream.indirect_vreg.gather [hbm4b:s10+s3], $0x80, v2, vm0, $0xb8;
	[tilespmem:$0x1C000] =	vst v63  }
0x113: {  	s29 =	simm.s32 $0x17800  }
0x114: {  	[tilespmem:s29], [sflag:$0x3] =	stream.indirect_vreg.gather [hbm4b:s11+s3], $0x80, v2, vm0, $0xb8;
	[tilespmem:$0x1C000] =	vst v63  }
0x115: {  	s29 =	simm.s32 $0x18000  }
0x116: {  	[tilespmem:s29], [sflag:$0x3] =	stream.indirect_vreg.gather [hbm4b:s12+s3], $0x80, v2, vm0, $0xb8;
	[tilespmem:$0x1C000] =	vst v63  }
0x117: {  	s29 =	simm.s32 $0x18800  }
0x118: {  	[tilespmem:s29], [sflag:$0x3] =	stream.indirect_vreg.gather [hbm4b:s13+s3], $0x80, v2, vm0, $0xb8;
	[tilespmem:$0x1C000] =	vst v63  }
0x119: {  	s29 =	simm.s32 $0x19000  }
0x11a: {  	[tilespmem:s29], [sflag:$0x3] =	stream.indirect_vreg.gather [hbm4b:s14+s3], $0x80, v2, vm0, $0xb8;
	[tilespmem:$0x1C000] =	vst v63  }
0x11b: {  	s29 =	simm.s32 $0x19800  }
0x11c: {  	[tilespmem:s29], [sflag:$0x3] =	stream.indirect_vreg.gather [hbm4b:s15+s3], $0x80, v2, vm0, $0xb8;
	[tilespmem:$0x1C000] =	vst v63  }
0x11d: {  	s29 =	simm.s32 $0x1A000  }
0x11e: {  	[tilespmem:s29], [sflag:$0x3] =	stream.indirect_vreg.gather [hbm4b:s16+s3], $0x80, v2, vm0, $0xb8;
	[tilespmem:$0x1C000] =	vst v63  }
0x11f: {  	s29 =	simm.s32 $0x1A800  }
0x120: {  	[tilespmem:s29], [sflag:$0x3] =	stream.indirect_vreg.gather [hbm4b:s17+s3], $0x80, v2, vm0, $0xb8;
	[tilespmem:$0x1C000] =	vst v63  }
.Ltmp3:
0x121: {  	_ = 	snop;
	(pc) =	sbr.rel .LBB2_2-.Ltmp3, $4  }
0x122: {  	s29 =	simm.s32 $0x1B000  }
0x123: {  	[tilespmem:s29], [sflag:$0x3] =	stream.indirect_vreg.gather [hbm4b:s18+s3], $0x80, v2, vm0, $0xb8;
	[tilespmem:$0x1C000] =	vst v63  }
0x124: {  	s19 =	sadd.s32 $0x3000, s19;
	s0 =	sadd.s32 $0x180, s0;
	s29 =	simm.s32 $0x1B800  }
0x125: {  	[tilespmem:s29], [sflag:$0x3] =	stream.indirect_vreg.gather [hbm4b:s20+s3], $0x80, v2, vm0, $0xb8;
	[tilespmem:$0x1C000] =	vst v63  }
.LBB2_5:
0x126: {  	_ =	sfence.sel $0x180000  }
0x127: {  	[bflag:$0x0] =	sbarrier.arrive $0xFFFF  }
0x128: {  	_ =	strace $0x90000047  }
0x129: {  	s0 =	stileid.u32;
	[bflag:$0x2] =	sbarrier.arrive $0xFFFF  }
0x12a: {  	p0 =	sne.s32 s0, $0x0;
	s0 =	rddreg [dreg:$0x3]  }
0x12b: {  	s0 =	sadd.s32 @!p0 $0x100000, s0  }
0x12c: {  	[sflag:s0] =	ssyncadd.tile.s32 @!p0 $0x1;
	_ =	shalt  }
.Lfunc_end2:
_tile_overlayer_lowered:
.L_overlay_start_2:
0x12d: {  	(tag) =	ssettag $0x2  }
0x12e: {  	s0 =	rddreg [dreg:$0x0];
	s2 =	stileid.u32  }
0x12f: {  	s1 =	rddreg [dreg:$0x1];
	p0 =	sne.s32 s2, $0x0  }
0x130: {  	s3 =	rddreg [dreg:$0x2];
	[bflag:$0x3] =	sbarrier.arrive $0xFFFF;
	s2 =	simm.s32 @!p0 $0x1C07  }
0x131: {  	[timem:s3], [sflag:s2] =	dma.local @!p0 [hbm:s0], s1  }
0x132: {  	s0 =	simm.s32 @!p0 $0x7  }
0x133: {  	_ =	swait.ge @!p0 [sflag:s0], s1  }
0x134: {  	s1 =	ssub.s32 @!p0 $0x0, s1;
	[sflag:s0] =	ssyncset.done @!p0 $0x0  }
0x135: {  	[sflag:s0] =	ssyncadd.s32 @!p0 s1  }
0x136: {  	[bflag:$0x3] =	sbarrier.arrive $0xFFFF  }
0x137: {  	_ =	shalt  }

</sc_bundles>
